<compile_context>
chip_gen: v7x
topology: tpu7x:2x2x1
jax: 0.10.2.dev20260603
libtpu: 0.0.44.dev20260713+nightly
codegen_flags: <defaults>
</compile_context>

<pallas_src>
import dataclasses
import functools

import jax
import jax.numpy as jnp
from jax import lax
from jax.experimental import pallas as pl
from jax.experimental.pallas import tpu as pltpu
from jax.experimental.pallas import tpu_sc as plsc

_N = 10000
_E = 40000
_NW = 32
_RPW = 313
_EPW = 40960
_EBLK = 512
_ABLK = 2048

_scmesh = plsc.VectorSubcoreMesh(core_axis_name="c", subcore_axis_name="s")

_sc_params = pltpu.CompilerParams()
if "needs_layout_passes" in pltpu.CompilerParams.__dataclass_fields__:
    _sc_params = dataclasses.replace(_sc_params, needs_layout_passes=False)


def _extract_body(adj_hbm, pk_out, cnt_out, rowbuf, pkbuf, cntv):
    c = lax.axis_index("c")
    s = lax.axis_index("s")
    w = s * 2 + c
    lo = w * _RPW
    hi = jnp.minimum(lo + _RPW, _N)
    iota = lax.iota(jnp.int32, 16)

    def scan_row(r, cnt):
        buf = rowbuf.at[0]
        pltpu.sync_copy(adj_hbm.at[r], buf)
        rbase = r * 16384

        def grp(g, cnt):
            for u in range(5):
                ch = g * 5 + u
                v = buf[pl.ds(ch * 16, 16)]
                m = v != 0.0
                pk = (rbase + ch * 16) + iota
                plsc.store_compressed(pkbuf.at[pl.ds(cnt, 16)], pk, mask=m)
                inc = plsc.all_reduce_population_count(m)[0]
                cnt = cnt + inc
            return cnt

        return lax.fori_loop(0, 125, grp, cnt)

    cnt = lax.fori_loop(lo, hi, scan_row, jnp.int32(0))

    cntv[...] = jnp.broadcast_to(cnt, (16,))
    pltpu.sync_copy(cntv, cnt_out.at[w])

    nblk = (cnt + _EBLK - 1) // _EBLK

    def flush(b, x):
        pltpu.sync_copy(pkbuf.at[pl.ds(b * _EBLK, _EBLK)],
                        pk_out.at[w].at[pl.ds(b * _EBLK, _EBLK)])
        return x

    lax.fori_loop(0, nblk, flush, 0)


@jax.jit
def _extract(adj):
    return pl.kernel(
        _extract_body,
        out_type=(jax.ShapeDtypeStruct((_NW, _EPW), jnp.int32),
                  jax.ShapeDtypeStruct((_NW, 16), jnp.int32)),
        mesh=_scmesh,
        scratch_types=[pltpu.VMEM((1, 10000), jnp.float32),
                       pltpu.VMEM((_EPW,), jnp.int32),
                       pltpu.VMEM((16,), jnp.int32)],
        compiler_params=_sc_params,
    )(adj)


def _alpha_body(d, qkvsH, pk_hbm, cnt_hbm, ex_out, den_out,
                pkv, cntv, idxq, idxk, qrows, krows, exv, den_local,
                semq0, semk0, semq1, semk1):
    H = d // 1024
    c = lax.axis_index("c")
    s = lax.axis_index("s")
    w = s * 2 + c
    iota = lax.iota(jnp.int32, 16)
    zz16 = jnp.zeros((16,), jnp.float32)
    inv_sqrt_d = jnp.float32(1.0 / float(d) ** 0.5)
    sems = ((semq0, semk0), (semq1, semk1))

    pltpu.sync_copy(cnt_hbm.at[w], cntv)
    cnt = cntv[...][0]

    @pl.loop(0, (_NW * 320) // 16)
    def _(i):
        den_local[pl.ds(i * 16, 16)] = zz16

    def issue(cj, h, slot):
        pk = pkv[pl.ds(cj * 16, 16)]
        srci = jnp.clip(pk >> 14, 0, _N - 1)
        dsti = jnp.clip(pk & 16383, 0, _N - 1)
        idxq.at[slot][...] = dsti * H + h
        idxk.at[slot][...] = (srci + _N) * H + h
        pltpu.async_copy(qkvsH.at[idxq.at[slot]], qrows.at[slot],
                         sems[slot][0])
        pltpu.async_copy(qkvsH.at[idxk.at[slot]], krows.at[slot],
                         sems[slot][1])

    def wait(slot):
        pltpu.make_async_copy(qkvsH.at[idxq.at[slot]], qrows.at[slot],
                              sems[slot][0]).wait()
        pltpu.make_async_copy(qkvsH.at[idxk.at[slot]], krows.at[slot],
                              sems[slot][1]).wait()

    def dots(slot):
        alpha_vec = zz16
        for j in range(16):
            def dstep(t, acc):
                for u in range(4):
                    sl = pl.ds((t * 4 + u) * 16, 16)
                    acc = acc + qrows[slot, j, sl] * krows[slot, j, sl]
                return acc

            accj = lax.fori_loop(0, 16, dstep, zz16)
            alpha_vec = alpha_vec + jnp.where(iota == j, jnp.sum(accj), 0.0)
        return alpha_vec

    def finalize(cj, bpos, acc):
        pk = pkv[pl.ds(cj * 16, 16)]
        dsti = jnp.clip(pk & 16383, 0, _N - 1)
        m = (bpos + iota) < cnt
        ex = jnp.where(m, jnp.exp(acc * inv_sqrt_d), 0.0)
        exv[pl.ds(cj * 16, 16)] = ex
        for j in range(16):
            plsc.addupdate_scatter(den_local, [dsti], ex, mask=iota == j)

    nblk = (cnt + _ABLK - 1) // _ABLK

    def blk(b, x):
        pltpu.sync_copy(pk_hbm.at[w].at[pl.ds(b * _ABLK, _ABLK)], pkv)
        rem = jnp.minimum(cnt - b * _ABLK, _ABLK)
        nch = (rem + 15) // 16
        if H == 1:
            npairs = (nch + 1) // 2
            njobs = 2 * npairs
            issue(0, 0, 0)
            issue(1, 0, 1)

            def pair(p, x2):
                wait(0)
                finalize(2 * p, b * _ABLK + 2 * p * 16, dots(0))

                @pl.when(2 * p + 2 < njobs)
                def _():
                    issue(2 * p + 2, 0, 0)

                wait(1)
                finalize(2 * p + 1, b * _ABLK + (2 * p + 1) * 16, dots(1))

                @pl.when(2 * p + 3 < njobs)
                def _():
                    issue(2 * p + 3, 0, 1)

                return x2

            lax.fori_loop(0, npairs, pair, 0)
        else:
            npairs = nch
            issue(0, 0, 0)
            issue(0, 1, 1)

            def pair(p, x2):
                wait(0)
                acc0 = dots(0)

                @pl.when(p + 1 < npairs)
                def _():
                    issue(p + 1, 0, 0)

                wait(1)
                finalize(p, b * _ABLK + p * 16, acc0 + dots(1))

                @pl.when(p + 1 < npairs)
                def _():
                    issue(p + 1, 1, 1)

                return x2

            lax.fori_loop(0, npairs, pair, 0)

        pltpu.sync_copy(exv.at[pl.ds(0, _ABLK)],
                        ex_out.at[w].at[pl.ds(b * _ABLK, _ABLK)])
        return x

    lax.fori_loop(0, nblk, blk, 0)
    pltpu.sync_copy(den_local, den_out.at[w])


@functools.partial(jax.jit, static_argnames=("d",))
def _alpha(qkvsH, pk, cnt16, d):
    return pl.kernel(
        functools.partial(_alpha_body, d),
        out_type=(jax.ShapeDtypeStruct((_NW, _EPW), jnp.float32),
                  jax.ShapeDtypeStruct((_NW, _NW * 320), jnp.float32)),
        mesh=_scmesh,
        scratch_types=[pltpu.VMEM((_ABLK,), jnp.int32),
                       pltpu.VMEM((16,), jnp.int32),
                       pltpu.VMEM((2, 16), jnp.int32),
                       pltpu.VMEM((2, 16), jnp.int32),
                       pltpu.VMEM((2, 16, 1024), jnp.float32),
                       pltpu.VMEM((2, 16, 1024), jnp.float32),
                       pltpu.VMEM((_ABLK + 32,), jnp.float32),
                       pltpu.VMEM((_NW * 320,), jnp.float32),
                       pltpu.SemaphoreType.DMA,
                       pltpu.SemaphoreType.DMA,
                       pltpu.SemaphoreType.DMA,
                       pltpu.SemaphoreType.DMA],
        compiler_params=_sc_params,
    )(qkvsH, pk, cnt16)


_DPW = 320
_NPAD = _NW * _DPW


def _agg_body(d, RP, qkvsH, pk_hbm, cnt_hbm, ex_hbm, agg_out,
              pkv, exv, cntv, sbsrc, sbrel, sbex, idxs, vrows, agg_local,
              sem, seme0, seme1):
    H = d // 1024
    c = lax.axis_index("c")
    s = lax.axis_index("s")
    g = s * 2 + c
    iota = lax.iota(jnp.int32, 16)
    zz16 = jnp.zeros((16,), jnp.float32)
    zero16i = jnp.zeros((16,), jnp.int32)
    P = _DPW // RP
    seme = (seme0, seme1)

    pltpu.sync_copy(cnt_hbm, cntv)

    def issue_edges(wr, slot):
        pltpu.async_copy(pk_hbm.at[wr].at[pl.ds(0, _ABLK)],
                         pkv.at[pl.ds(slot * _ABLK, _ABLK)], seme[slot])
        pltpu.async_copy(ex_hbm.at[wr].at[pl.ds(0, _ABLK)],
                         exv.at[pl.ds(slot * _ABLK, _ABLK)], seme[slot])

    def wait_edges(slot):
        pltpu.make_async_copy(pk_hbm.at[0].at[pl.ds(0, _ABLK)],
                              pkv.at[pl.ds(slot * _ABLK, _ABLK)],
                              seme[slot]).wait()
        pltpu.make_async_copy(ex_hbm.at[0].at[pl.ds(0, _ABLK)],
                              exv.at[pl.ds(slot * _ABLK, _ABLK)],
                              seme[slot]).wait()

    def batch(bb, x2):
        srcb = sbsrc[pl.ds(bb * 16, 16)]
        relb = sbrel[pl.ds(bb * 16, 16)]
        exb = sbex[pl.ds(bb * 16, 16)]
        for h in range(H):
            idxs[...] = (srcb + 2 * _N) * H + h
            pltpu.async_copy(qkvsH.at[idxs], vrows, sem).wait()
            for j in range(16):
                exs = exb[j]
                ro = (relb[j] * H + h) * 1024

                def acc(t, x3):
                    for u in range(4):
                        off = (t * 4 + u) * 16
                        sl2 = pl.ds(ro + off, 16)
                        agg_local[sl2] = (agg_local[sl2]
                                          + vrows[j, pl.ds(off, 16)] * exs)
                    return x3

                lax.fori_loop(0, 16, acc, 0)
        return x2

    @pl.loop(0, P)
    def _pass(p):
        base = g * _DPW + p * RP

        @pl.loop(0, RP * d // 16)
        def _(i):
            agg_local[pl.ds(i * 16, 16)] = zz16

        def scan_block(wr, b, sl, cntw, st1):
            nch = jnp.clip((cntw - b * _ABLK + 15) // 16, 0, _ABLK // 16)

            def chunk(ci, st):
                pk = pkv[pl.ds(sl * _ABLK + ci * 16, 16)]
                exc = exv[pl.ds(sl * _ABLK + ci * 16, 16)]
                pos = (b * _ABLK + ci * 16) + iota
                srci = jnp.clip(pk >> 14, 0, _N - 1)
                rel = (pk & 16383) - base
                m = (pos < cntw) & (rel >= 0) & (rel < RP)
                plsc.store_compressed(sbsrc.at[pl.ds(st, 16)], srci,
                                      mask=m)
                plsc.store_compressed(sbrel.at[pl.ds(st, 16)], rel,
                                      mask=m)
                plsc.store_compressed(sbex.at[pl.ds(st, 16)], exc,
                                      mask=m)
                st4 = st + plsc.all_reduce_population_count(m)[0]

                @pl.when(st4 >= 496)
                def _():
                    nb = st4 // 16
                    lax.fori_loop(0, nb, batch, 0)
                    mv0 = sbsrc[pl.ds(nb * 16, 16)]
                    mv1 = sbrel[pl.ds(nb * 16, 16)]
                    mv2 = sbex[pl.ds(nb * 16, 16)]
                    sbsrc[pl.ds(0, 16)] = mv0
                    sbrel[pl.ds(0, 16)] = mv1
                    sbex[pl.ds(0, 16)] = mv2

                return jnp.where(st4 >= 496, st4 % 16, st4)

            return lax.fori_loop(0, nch, chunk, st1)

        issue_edges(0, 0)
        issue_edges(1, 1)

        def one_worker(wr, st0):
            sl = wr & 1
            cntw = cntv[wr][0]
            for so in range(2):
                @pl.when(sl == so)
                def _():
                    wait_edges(so)

            nblk = (cntw + _ABLK - 1) // _ABLK

            def blk(b, st2):
                for so in range(2):
                    @pl.when((b > 0) & (sl == so))
                    def _():
                        pltpu.sync_copy(
                            pk_hbm.at[wr].at[pl.ds(b * _ABLK, _ABLK)],
                            pkv.at[pl.ds(so * _ABLK, _ABLK)])
                        pltpu.sync_copy(
                            ex_hbm.at[wr].at[pl.ds(b * _ABLK, _ABLK)],
                            exv.at[pl.ds(so * _ABLK, _ABLK)])
                return scan_block(wr, b, sl, cntw, st2)

            st1 = lax.fori_loop(0, jnp.maximum(nblk, 1), blk, st0)
            for so in range(2):
                @pl.when((wr + 2 < _NW) & (sl == so))
                def _():
                    issue_edges(wr + 2, so)

            return st1

        st = lax.fori_loop(0, _NW, one_worker, jnp.int32(0))
        sbsrc[pl.ds(st, 16)] = zero16i
        sbrel[pl.ds(st, 16)] = zero16i
        sbex[pl.ds(st, 16)] = zz16
        nb2 = (st + 15) // 16
        lax.fori_loop(0, nb2, batch, 0)
        pltpu.sync_copy(agg_local, agg_out.at[pl.ds(base * d, RP * d)])


@functools.partial(jax.jit, static_argnames=("d",))
def _agg(qkvsH, pk, cnt16, ex, d):
    RP = 80 if d == 1024 else 40
    return pl.kernel(
        functools.partial(_agg_body, d, RP),
        out_type=jax.ShapeDtypeStruct((_NPAD * d,), jnp.float32),
        mesh=_scmesh,
        scratch_types=[pltpu.VMEM((2 * _ABLK,), jnp.int32),
                       pltpu.VMEM((2 * _ABLK,), jnp.float32),
                       pltpu.VMEM((_NW, 16), jnp.int32),
                       pltpu.VMEM((544,), jnp.int32),
                       pltpu.VMEM((544,), jnp.int32),
                       pltpu.VMEM((544,), jnp.float32),
                       pltpu.VMEM((16,), jnp.int32),
                       pltpu.VMEM((16, 1024), jnp.float32),
                       pltpu.VMEM((RP * d,), jnp.float32),
                       pltpu.SemaphoreType.DMA,
                       pltpu.SemaphoreType.DMA,
                       pltpu.SemaphoreType.DMA],
        compiler_params=_sc_params,
    )(qkvsH, pk, cnt16, ex)


def _mm_body(x_ref, w_ref, b_ref, o_ref):
    o_ref[0] = (
        jnp.dot(x_ref[...], w_ref[0], preferred_element_type=jnp.float32)
        + b_ref[0]
    )


@functools.partial(jax.jit, static_argnames=("bm",))
def _fused_matmul(x, w4, b4, bm=1000):
    m, kdim = x.shape
    _, _, n = w4.shape
    b3 = b4.reshape(4, 1, n)
    return pl.pallas_call(
        _mm_body,
        grid=(4, m // bm),
        in_specs=[
            pl.BlockSpec((bm, kdim), lambda j, i: (i, 0)),
            pl.BlockSpec((1, kdim, n), lambda j, i: (j, 0, 0)),
            pl.BlockSpec((1, 1, n), lambda j, i: (j, 0, 0)),
        ],
        out_specs=pl.BlockSpec((1, bm, n), lambda j, i: (j, i, 0)),
        out_shape=jax.ShapeDtypeStruct((4, m, n), jnp.float32),
    )(x, w4, b3)


def _epi_body(elu, bm, agg_ref, den_ref, s_ref, o_ref):
    i = pl.program_id(0)
    den = jnp.sum(den_ref[:, pl.ds(i * bm, bm)], axis=0)
    inv = 1.0 / (den + 1e-16)
    h = agg_ref[...] * inv[:, None] + s_ref[0]
    if elu:
        h = jnp.where(h > 0, h, jnp.exp(h) - 1.0)
    o_ref[...] = h


@functools.partial(jax.jit, static_argnames=("elu", "bm", "bn"))
def _epilogue(agg, den, qkvs, elu, bm=1024, bn=1024):
    n, d = _N, agg.shape[1]
    return pl.pallas_call(
        functools.partial(_epi_body, elu, bm),
        grid=(pl.cdiv(n, bm), d // bn),
        in_specs=[
            pl.BlockSpec((bm, bn), lambda i, j: (i, j)),
            pl.BlockSpec((_NW, _NPAD), lambda i, j: (0, 0)),
            pl.BlockSpec((1, bm, bn), lambda i, j: (3, i, j)),
        ],
        out_specs=pl.BlockSpec((bm, bn), lambda i, j: (i, j)),
        out_shape=jax.ShapeDtypeStruct((n, d), jnp.float32),
    )(agg, den, qkvs)


def _conv_layer(x, pk, cnt16, p, elu):
    d = p["Wq"].shape[1]
    w4 = jnp.stack([p["Wq"], p["Wk"], p["Wv"], p["Ws"]], axis=0)
    b4 = jnp.stack([p["bq"], p["bk"], p["bv"], p["bs"]], axis=0)
    qkvs = _fused_matmul(x, w4, b4)
    qkvsH = qkvs.reshape(4 * _N * (d // 1024), 1024)
    ex, den = _alpha(qkvsH, pk, cnt16, d)
    agg = _agg(qkvsH, pk, cnt16, ex, d).reshape(_NPAD, d)
    return _epilogue(agg, den, qkvs, elu)


def kernel(x, XY_Adj, params):
    pk, cnt16 = _extract(XY_Adj)
    h1 = _conv_layer(x, pk, cnt16, params["conv1"], True)
    h2 = _conv_layer(h1, pk, cnt16, params["conv2"], False)
    h3 = _conv_layer(h2, pk, cnt16, params["conv3"], True)
    out = _conv_layer(h3, pk, cnt16, params["conv4"], False)
    return out

# --- scband reference (transcript-rebuilt; emitter-appended) ---
"""Pipeline reference for scband-graph-transf-block4-17497696764593 (READ-ONLY COPY).

The authoritative reference and input builder live on the scoring server;
editing this copy changes nothing except your own understanding.
"""

import jax, jax.numpy as jnp
import numpy as np

N = 10000
E = 40000
IN_DIM = 2048
HID = 1024


def _init_params(key):
    dims = [(IN_DIM, HID), (HID, IN_DIM), (IN_DIM, HID), (HID, IN_DIM)]
    params = {}
    for li, (din, dout) in enumerate(dims):
        layer = {}
        for nm in ['q', 'k', 'v', 's']:
            key, k1 = jax.random.split(key)
            layer['W' + nm] = (jax.random.normal(k1, (din, dout), dtype=jnp.float32) / np.sqrt(din)).astype(jnp.float32)
            layer['b' + nm] = jnp.zeros((dout,), dtype=jnp.float32)
        params['conv%d' % (li + 1)] = layer
    return params


def setup_inputs(seed: int = 0):
    key = jax.random.key(seed)
    kx, ks_, kd, kp = jax.random.split(key, 4)
    x = jax.random.normal(kx, (N, IN_DIM), dtype=jnp.float32)
    # sparse adjacency: ~E ones scattered into a dense [N, N] matrix
    src = jax.random.randint(ks_, (E,), 0, N)
    dst = jax.random.randint(kd, (E,), 0, N)
    XY_Adj = jnp.zeros((N, N), dtype=jnp.float32).at[src, dst].set(1.0)
    params = _init_params(kp)
    return {'x': x, 'XY_Adj': XY_Adj, 'params': params}


def _transformer_conv(x, src, dst, valid, p, n_nodes):
    # PyG TransformerConv, heads=1, concat=True, root_weight=True, beta=False
    q = x @ p['Wq'] + p['bq']
    k = x @ p['Wk'] + p['bk']
    v = x @ p['Wv'] + p['bv']
    d = q.shape[-1]
    alpha = jnp.sum(q[dst] * k[src], axis=-1) / jnp.sqrt(jnp.float32(d))
    alpha = jnp.where(valid, alpha, -jnp.inf)
    amax = jax.ops.segment_max(alpha, dst, num_segments=n_nodes)
    amax = jnp.where(jnp.isfinite(amax), amax, 0.0)
    ex = jnp.exp(alpha - amax[dst])
    den = jax.ops.segment_sum(ex, dst, num_segments=n_nodes)
    coef = ex / (den[dst] + 1e-16)
    agg = jax.ops.segment_sum(coef[:, None] * v[src], dst, num_segments=n_nodes)
    return agg + x @ p['Ws'] + p['bs']


def reference(x, XY_Adj, params):
    # scipy coo_matrix(dense) enumerates nonzeros in row-major order, same as jnp.nonzero
    src, dst = jnp.nonzero(XY_Adj, size=E, fill_value=0)
    cnt = jnp.sum(XY_Adj).astype(jnp.int32)
    valid = jnp.arange(E) < cnt
    n = x.shape[0]
    h1 = jax.nn.elu(_transformer_conv(x, src, dst, valid, params['conv1'], n))
    h2 = _transformer_conv(h1, src, dst, valid, params['conv2'], n)
    h3 = jax.nn.elu(_transformer_conv(h2, src, dst, valid, params['conv3'], n))
    out = _transformer_conv(h3, src, dst, valid, params['conv4'], n)
    return out

if __name__ == "__main__":
    import jax
    _d = setup_inputs()
    print(jax.jit(kernel)(*tuple(_d.values())))

</pallas_src>

<mosaic_0001>
#map = affine_map<(d0, d1) -> (0, 0)>
module attributes {stable_mosaic.version = 14 : i64} {
  func.func @_extract_body(%arg0: i32, %arg1: i32, %arg2: memref<10000x10000xf32, #tpu.memory_space<hbm>>, %arg3: memref<32x40960xi32, #tpu.memory_space<hbm>>, %arg4: memref<32x16xi32, #tpu.memory_space<hbm>>, %arg5: memref<1x10000xf32, #tpu.memory_space<vmem>>, %arg6: memref<40960xi32, #tpu.memory_space<vmem>>, %arg7: memref<16xi32, #tpu.memory_space<vmem>>) attributes {dimension_semantics = [#tpu.dimension_semantics<core_parallel>, #tpu.dimension_semantics<subcore_parallel>], iteration_bounds = array<i64: 2, 16>, scalar_prefetch = 0 : i64, scratch_operands = 3 : i64, tpu.core_type = #tpu.core_type<sc_vector_subcore>, window_params = [{transform_indices = #map}, {transform_indices = #map}, {transform_indices = #map}]} {
    %mul3A = arith.constant 2 : i32
    %mul3A_0 = arith.muli %arg1, %mul3A : i32
    %add3A = arith.addi %mul3A_0, %arg0 : i32
    %mul3A_1 = arith.constant 313 : i32
    %mul3A_2 = arith.muli %add3A, %mul3A_1 : i32
    %add3A_3 = arith.constant 313 : i32
    %add3A_4 = arith.addi %mul3A_2, %add3A_3 : i32
    %min3A = arith.constant 10000 : i32
    %min3A_5 = arith.minsi %add3A_4, %min3A : i32
    %iota3A = tpu.iota {dimensions = array<i32: 0>} : vector<16xi32>
    %while3A = arith.constant 0 : i32
    %while3A_6 = arith.subi %min3A_5, %mul3A_2 : i32
    %while3A_7 = arith.addi %mul3A_2, %while3A_6 : i32
    %while3A_8 = arith.constant 1 : i32
    %while3A_9 = arith.divsi %while3A_6, %while3A_8 : i32
    %while3A_10 = arith.muli %while3A_9, %while3A_8 : i32
    %while3A_11 = arith.addi %mul3A_2, %while3A_10 : i32
    %while3A_12 = arith.constant 1 : i32
    %while3A_13 = scf.for %while3A_47 = %mul3A_2 to %while3A_11 step %while3A_12 iter_args(%while3A_48 = %while3A) -> (i32)  : i32 {
      %run_scoped3A = arith.constant 0 : i32
      "tpu.region"() ({
        %run_scoped3A_57 = tpu.sem_alloc : memref<!tpu.dma_semaphore, #tpu.memory_space<semaphore_mem>>
        %dma_start3A = arith.constant 0 : i32
        %dma_start3A_58 = tpu.memref_slice %arg5[%run_scoped3A, %dma_start3A] : memref<1x10000xf32, #tpu.memory_space<vmem>> -> memref<1x10000xf32, #tpu.memory_space<vmem>>
        %dma_start3A_59 = tpu.memref_squeeze %dma_start3A_58 : memref<1x10000xf32, #tpu.memory_space<vmem>> -> memref<10000xf32, #tpu.memory_space<vmem>>
        %dma_start3A_60 = arith.constant 0 : i32
        %dma_start3A_61 = tpu.memref_slice %arg2[%while3A_47, %dma_start3A_60] : memref<10000x10000xf32, #tpu.memory_space<hbm>> -> memref<1x10000xf32, #tpu.memory_space<hbm>>
        %dma_start3A_62 = tpu.memref_squeeze %dma_start3A_61 : memref<1x10000xf32, #tpu.memory_space<hbm>> -> memref<10000xf32, #tpu.memory_space<hbm>>
        %dma_start3A_63 = arith.constant 0 : i32
        %dma_start3A_64 = tpu.memref_slice %arg5[%run_scoped3A, %dma_start3A_63] : memref<1x10000xf32, #tpu.memory_space<vmem>> -> memref<1x10000xf32, #tpu.memory_space<vmem>>
        %dma_start3A_65 = tpu.memref_squeeze %dma_start3A_64 : memref<1x10000xf32, #tpu.memory_space<vmem>> -> memref<10000xf32, #tpu.memory_space<vmem>>
        %dma_start3A_66 = arith.constant 0 : i32
        %dma_start3A_67 = tpu.memref_slice %arg2[%while3A_47, %dma_start3A_66] : memref<10000x10000xf32, #tpu.memory_space<hbm>> -> memref<1x10000xf32, #tpu.memory_space<hbm>>
        %dma_start3A_68 = tpu.memref_squeeze %dma_start3A_67 : memref<1x10000xf32, #tpu.memory_space<hbm>> -> memref<10000xf32, #tpu.memory_space<hbm>>
        tpu.enqueue_dma source(%dma_start3A_68 : memref<10000xf32, #tpu.memory_space<hbm>>) target(%dma_start3A_65 : memref<10000xf32, #tpu.memory_space<vmem>>) target_semaphore(%run_scoped3A_57 : memref<!tpu.dma_semaphore, #tpu.memory_space<semaphore_mem>>)
        %dma_wait3A = arith.constant 0 : i32
        %dma_wait3A_69 = tpu.memref_slice %arg5[%run_scoped3A, %dma_wait3A] : memref<1x10000xf32, #tpu.memory_space<vmem>> -> memref<1x10000xf32, #tpu.memory_space<vmem>>
        %dma_wait3A_70 = tpu.memref_squeeze %dma_wait3A_69 : memref<1x10000xf32, #tpu.memory_space<vmem>> -> memref<10000xf32, #tpu.memory_space<vmem>>
        %dma_wait3A_71 = arith.constant 0 : i32
        %dma_wait3A_72 = tpu.memref_slice %arg2[%while3A_47, %dma_wait3A_71] : memref<10000x10000xf32, #tpu.memory_space<hbm>> -> memref<1x10000xf32, #tpu.memory_space<hbm>>
        %dma_wait3A_73 = tpu.memref_squeeze %dma_wait3A_72 : memref<1x10000xf32, #tpu.memory_space<hbm>> -> memref<10000xf32, #tpu.memory_space<hbm>>
        %dma_wait3A_74 = arith.constant 0 : i32
        %dma_wait3A_75 = tpu.memref_slice %arg5[%run_scoped3A, %dma_wait3A_74] : memref<1x10000xf32, #tpu.memory_space<vmem>> -> memref<1x10000xf32, #tpu.memory_space<vmem>>
        %dma_wait3A_76 = tpu.memref_squeeze %dma_wait3A_75 : memref<1x10000xf32, #tpu.memory_space<vmem>> -> memref<10000xf32, #tpu.memory_space<vmem>>
        %dma_wait3A_77 = arith.constant 0 : i32
        %dma_wait3A_78 = tpu.memref_slice %arg2[%while3A_47, %dma_wait3A_77] : memref<10000x10000xf32, #tpu.memory_space<hbm>> -> memref<1x10000xf32, #tpu.memory_space<hbm>>
        %dma_wait3A_79 = tpu.memref_squeeze %dma_wait3A_78 : memref<1x10000xf32, #tpu.memory_space<hbm>> -> memref<10000xf32, #tpu.memory_space<hbm>>
        tpu.wait_dma2 semaphore(%run_scoped3A_57 : memref<!tpu.dma_semaphore, #tpu.memory_space<semaphore_mem>>) src(%dma_wait3A_79 : memref<10000xf32, #tpu.memory_space<hbm>>) dst(%dma_wait3A_76 : memref<10000xf32, #tpu.memory_space<vmem>>)
        tpu.yield
      }) : () -> ()
      %mul3A_49 = arith.constant 16384 : i32
      %mul3A_50 = arith.muli %while3A_47, %mul3A_49 : i32
      %scan3A = arith.constant 0 : i32
      %scan3A_51 = arith.constant 0 : i32
      %scan3A_52 = arith.constant 125 : i32
      %scan3A_53 = arith.addi %scan3A_51, %scan3A_52 : i32
      %scan3A_54 = arith.constant 1 : i32
      %scan3A_55 = scf.for %scan3A_57 = %scan3A_51 to %scan3A_53 step %scan3A_54 iter_args(%scan3A_58 = %while3A_48) -> (i32)  : i32 {
        %mul3A_59 = arith.constant 5 : i32
        %mul3A_60 = arith.muli %scan3A_57, %mul3A_59 : i32
        %add3A_61 = arith.constant 0 : i32
        %add3A_62 = arith.addi %mul3A_60, %add3A_61 : i32
        %mul3A_63 = arith.constant 16 : i32
        %mul3A_64 = arith.muli %add3A_62, %mul3A_63 : i32
        %get3A = arith.constant 0 : i32
        %get3A_65 = tpu.memref_slice %arg5[%scan3A, %get3A] : memref<1x10000xf32, #tpu.memory_space<vmem>> -> memref<1x10000xf32, #tpu.memory_space<vmem>>
        %get3A_66 = tpu.memref_squeeze %get3A_65 : memref<1x10000xf32, #tpu.memory_space<vmem>> -> memref<10000xf32, #tpu.memory_space<vmem>>
        %get3A_67 = arith.index_cast %mul3A_64 : i32 to index
        %get3A_68 = tpu.vector_load %get3A_66[%get3A_67] {strides = array<i32>} : memref<10000xf32, #tpu.memory_space<vmem>>, vector<16xf32>,
        %ne3A_69 = arith.constant 0.000000e+00 : f32
        %ne3A_70 = vector.broadcast %ne3A_69 : f32 to vector<16xf32>
        %ne3A_71 = arith.cmpf one, %get3A_68, %ne3A_70 : vector<16xf32>
        %mul3A_72 = arith.constant 16 : i32
        %mul3A_73 = arith.muli %add3A_62, %mul3A_72 : i32
        %add3A_74 = arith.addi %mul3A_50, %mul3A_73 : i32
        %add3A_75 = vector.broadcast %add3A_74 : i32 to vector<16xi32>
        %add3A_76 = arith.addi %add3A_75, %iota3A : vector<16xi32>
        %swap3A_77 = arith.index_cast %scan3A_58 : i32 to index
        %swap3A_78 = tpu.vector_load %arg6[%swap3A_77] masked %ne3A_71 {strides = array<i32>} : memref<40960xi32, #tpu.memory_space<vmem>>, vector<16xi32>, vector<16xi1>
        tpu.vector_store %arg6[%swap3A_77], %add3A_76 masked %ne3A_71 {strides = array<i32>} : memref<40960xi32, #tpu.memory_space<vmem>>, vector<16xi32>, vector<16xi1>
        %all_reduce_population_count3A = tpu.all_reduce %ne3A_71 {dim = 0 : i64, kind = #tpu.reduction_kind<sum>} : vector<16xi1> -> vector<16xi32>
        %slice3A = vector.extract_strided_slice %all_reduce_population_count3A {offsets = [0], sizes = [1], strides = [1]} : vector<16xi32> to vector<1xi32>
        %squeeze3A = vector.extract %slice3A[0] : i32 from vector<1xi32>
        %add3A_79 = arith.addi %scan3A_58, %squeeze3A : i32
        %mul3A_80 = arith.constant 5 : i32
        %mul3A_81 = arith.muli %scan3A_57, %mul3A_80 : i32
        %add3A_82 = arith.constant 1 : i32
        %add3A_83 = arith.addi %mul3A_81, %add3A_82 : i32
        %mul3A_84 = arith.constant 16 : i32
        %mul3A_85 = arith.muli %add3A_83, %mul3A_84 : i32
        %get3A_86 = arith.constant 0 : i32
        %get3A_87 = tpu.memref_slice %arg5[%scan3A, %get3A_86] : memref<1x10000xf32, #tpu.memory_space<vmem>> -> memref<1x10000xf32, #tpu.memory_space<vmem>>
        %get3A_88 = tpu.memref_squeeze %get3A_87 : memref<1x10000xf32, #tpu.memory_space<vmem>> -> memref<10000xf32, #tpu.memory_space<vmem>>
        %get3A_89 = arith.index_cast %mul3A_85 : i32 to index
        %get3A_90 = tpu.vector_load %get3A_88[%get3A_89] {strides = array<i32>} : memref<10000xf32, #tpu.memory_space<vmem>>, vector<16xf32>,
        %ne3A_91 = arith.constant 0.000000e+00 : f32
        %ne3A_92 = vector.broadcast %ne3A_91 : f32 to vector<16xf32>
        %ne3A_93 = arith.cmpf one, %get3A_90, %ne3A_92 : vector<16xf32>
        %mul3A_94 = arith.constant 16 : i32
        %mul3A_95 = arith.muli %add3A_83, %mul3A_94 : i32
        %add3A_96 = arith.addi %mul3A_50, %mul3A_95 : i32
        %add3A_97 = vector.broadcast %add3A_96 : i32 to vector<16xi32>
        %add3A_98 = arith.addi %add3A_97, %iota3A : vector<16xi32>
        %swap3A_99 = arith.index_cast %add3A_79 : i32 to index
        %swap3A_100 = tpu.vector_load %arg6[%swap3A_99] masked %ne3A_93 {strides = array<i32>} : memref<40960xi32, #tpu.memory_space<vmem>>, vector<16xi32>, vector<16xi1>
        tpu.vector_store %arg6[%swap3A_99], %add3A_98 masked %ne3A_93 {strides = array<i32>} : memref<40960xi32, #tpu.memory_space<vmem>>, vector<16xi32>, vector<16xi1>
        %all_reduce_population_count3A_101 = tpu.all_reduce %ne3A_93 {dim = 0 : i64, kind = #tpu.reduction_kind<sum>} : vector<16xi1> -> vector<16xi32>
        %slice3A_102 = vector.extract_strided_slice %all_reduce_population_count3A_101 {offsets = [0], sizes = [1], strides = [1]} : vector<16xi32> to vector<1xi32>
        %squeeze3A_103 = vector.extract %slice3A_102[0] : i32 from vector<1xi32>
        %add3A_104 = arith.addi %add3A_79, %squeeze3A_103 : i32
        %mul3A_105 = arith.constant 5 : i32
        %mul3A_106 = arith.muli %scan3A_57, %mul3A_105 : i32
        %add3A_107 = arith.constant 2 : i32
        %add3A_108 = arith.addi %mul3A_106, %add3A_107 : i32
        %mul3A_109 = arith.constant 16 : i32
        %mul3A_110 = arith.muli %add3A_108, %mul3A_109 : i32
        %get3A_111 = arith.constant 0 : i32
        %get3A_112 = tpu.memref_slice %arg5[%scan3A, %get3A_111] : memref<1x10000xf32, #tpu.memory_space<vmem>> -> memref<1x10000xf32, #tpu.memory_space<vmem>>
        %get3A_113 = tpu.memref_squeeze %get3A_112 : memref<1x10000xf32, #tpu.memory_space<vmem>> -> memref<10000xf32, #tpu.memory_space<vmem>>
        %get3A_114 = arith.index_cast %mul3A_110 : i32 to index
        %get3A_115 = tpu.vector_load %get3A_113[%get3A_114] {strides = array<i32>} : memref<10000xf32, #tpu.memory_space<vmem>>, vector<16xf32>,
        %ne3A_116 = arith.constant 0.000000e+00 : f32
        %ne3A_117 = vector.broadcast %ne3A_116 : f32 to vector<16xf32>
        %ne3A_118 = arith.cmpf one, %get3A_115, %ne3A_117 : vector<16xf32>
        %mul3A_119 = arith.constant 16 : i32
        %mul3A_120 = arith.muli %add3A_108, %mul3A_119 : i32
        %add3A_121 = arith.addi %mul3A_50, %mul3A_120 : i32
        %add3A_122 = vector.broadcast %add3A_121 : i32 to vector<16xi32>
        %add3A_123 = arith.addi %add3A_122, %iota3A : vector<16xi32>
        %swap3A_124 = arith.index_cast %add3A_104 : i32 to index
        %swap3A_125 = tpu.vector_load %arg6[%swap3A_124] masked %ne3A_118 {strides = array<i32>} : memref<40960xi32, #tpu.memory_space<vmem>>, vector<16xi32>, vector<16xi1>
        tpu.vector_store %arg6[%swap3A_124], %add3A_123 masked %ne3A_118 {strides = array<i32>} : memref<40960xi32, #tpu.memory_space<vmem>>, vector<16xi32>, vector<16xi1>
        %all_reduce_population_count3A_126 = tpu.all_reduce %ne3A_118 {dim = 0 : i64, kind = #tpu.reduction_kind<sum>} : vector<16xi1> -> vector<16xi32>
        %slice3A_127 = vector.extract_strided_slice %all_reduce_population_count3A_126 {offsets = [0], sizes = [1], strides = [1]} : vector<16xi32> to vector<1xi32>
        %squeeze3A_128 = vector.extract %slice3A_127[0] : i32 from vector<1xi32>
        %add3A_129 = arith.addi %add3A_104, %squeeze3A_128 : i32
        %mul3A_130 = arith.constant 5 : i32
        %mul3A_131 = arith.muli %scan3A_57, %mul3A_130 : i32
        %add3A_132 = arith.constant 3 : i32
        %add3A_133 = arith.addi %mul3A_131, %add3A_132 : i32
        %mul3A_134 = arith.constant 16 : i32
        %mul3A_135 = arith.muli %add3A_133, %mul3A_134 : i32
        %get3A_136 = arith.constant 0 : i32
        %get3A_137 = tpu.memref_slice %arg5[%scan3A, %get3A_136] : memref<1x10000xf32, #tpu.memory_space<vmem>> -> memref<1x10000xf32, #tpu.memory_space<vmem>>
        %get3A_138 = tpu.memref_squeeze %get3A_137 : memref<1x10000xf32, #tpu.memory_space<vmem>> -> memref<10000xf32, #tpu.memory_space<vmem>>
        %get3A_139 = arith.index_cast %mul3A_135 : i32 to index
        %get3A_140 = tpu.vector_load %get3A_138[%get3A_139] {strides = array<i32>} : memref<10000xf32, #tpu.memory_space<vmem>>, vector<16xf32>,
        %ne3A_141 = arith.constant 0.000000e+00 : f32
        %ne3A_142 = vector.broadcast %ne3A_141 : f32 to vector<16xf32>
        %ne3A_143 = arith.cmpf one, %get3A_140, %ne3A_142 : vector<16xf32>
        %mul3A_144 = arith.constant 16 : i32
        %mul3A_145 = arith.muli %add3A_133, %mul3A_144 : i32
        %add3A_146 = arith.addi %mul3A_50, %mul3A_145 : i32
        %add3A_147 = vector.broadcast %add3A_146 : i32 to vector<16xi32>
        %add3A_148 = arith.addi %add3A_147, %iota3A : vector<16xi32>
        %swap3A_149 = arith.index_cast %add3A_129 : i32 to index
        %swap3A_150 = tpu.vector_load %arg6[%swap3A_149] masked %ne3A_143 {strides = array<i32>} : memref<40960xi32, #tpu.memory_space<vmem>>, vector<16xi32>, vector<16xi1>
        tpu.vector_store %arg6[%swap3A_149], %add3A_148 masked %ne3A_143 {strides = array<i32>} : memref<40960xi32, #tpu.memory_space<vmem>>, vector<16xi32>, vector<16xi1>
        %all_reduce_population_count3A_151 = tpu.all_reduce %ne3A_143 {dim = 0 : i64, kind = #tpu.reduction_kind<sum>} : vector<16xi1> -> vector<16xi32>
        %slice3A_152 = vector.extract_strided_slice %all_reduce_population_count3A_151 {offsets = [0], sizes = [1], strides = [1]} : vector<16xi32> to vector<1xi32>
        %squeeze3A_153 = vector.extract %slice3A_152[0] : i32 from vector<1xi32>
        %add3A_154 = arith.addi %add3A_129, %squeeze3A_153 : i32
        %mul3A_155 = arith.constant 5 : i32
        %mul3A_156 = arith.muli %scan3A_57, %mul3A_155 : i32
        %add3A_157 = arith.constant 4 : i32
        %add3A_158 = arith.addi %mul3A_156, %add3A_157 : i32
        %mul3A_159 = arith.constant 16 : i32
        %mul3A_160 = arith.muli %add3A_158, %mul3A_159 : i32
        %get3A_161 = arith.constant 0 : i32
        %get3A_162 = tpu.memref_slice %arg5[%scan3A, %get3A_161] : memref<1x10000xf32, #tpu.memory_space<vmem>> -> memref<1x10000xf32, #tpu.memory_space<vmem>>
        %get3A_163 = tpu.memref_squeeze %get3A_162 : memref<1x10000xf32, #tpu.memory_space<vmem>> -> memref<10000xf32, #tpu.memory_space<vmem>>
        %get3A_164 = arith.index_cast %mul3A_160 : i32 to index
        %get3A_165 = tpu.vector_load %get3A_163[%get3A_164] {strides = array<i32>} : memref<10000xf32, #tpu.memory_space<vmem>>, vector<16xf32>,
        %ne3A_166 = arith.constant 0.000000e+00 : f32
        %ne3A_167 = vector.broadcast %ne3A_166 : f32 to vector<16xf32>
        %ne3A_168 = arith.cmpf one, %get3A_165, %ne3A_167 : vector<16xf32>
        %mul3A_169 = arith.constant 16 : i32
        %mul3A_170 = arith.muli %add3A_158, %mul3A_169 : i32
        %add3A_171 = arith.addi %mul3A_50, %mul3A_170 : i32
        %add3A_172 = vector.broadcast %add3A_171 : i32 to vector<16xi32>
        %add3A_173 = arith.addi %add3A_172, %iota3A : vector<16xi32>
        %swap3A_174 = arith.index_cast %add3A_154 : i32 to index
        %swap3A_175 = tpu.vector_load %arg6[%swap3A_174] masked %ne3A_168 {strides = array<i32>} : memref<40960xi32, #tpu.memory_space<vmem>>, vector<16xi32>, vector<16xi1>
        tpu.vector_store %arg6[%swap3A_174], %add3A_173 masked %ne3A_168 {strides = array<i32>} : memref<40960xi32, #tpu.memory_space<vmem>>, vector<16xi32>, vector<16xi1>
        %all_reduce_population_count3A_176 = tpu.all_reduce %ne3A_168 {dim = 0 : i64, kind = #tpu.reduction_kind<sum>} : vector<16xi1> -> vector<16xi32>
        %slice3A_177 = vector.extract_strided_slice %all_reduce_population_count3A_176 {offsets = [0], sizes = [1], strides = [1]} : vector<16xi32> to vector<1xi32>
        %squeeze3A_178 = vector.extract %slice3A_177[0] : i32 from vector<1xi32>
        %add3A_179 = arith.addi %add3A_154, %squeeze3A_178 : i32
        scf.yield %add3A_179 : i32
      }
      %scan3A_56 = arith.constant 125 : i32
      scf.yield %scan3A_55 : i32
    }
    %while3A_14 = arith.constant 1 : i32
    %while3A_15 = scf.for %while3A_47 = %while3A_11 to %while3A_7 step %while3A_14 iter_args(%while3A_48 = %while3A_13) -> (i32)  : i32 {
      %run_scoped3A = arith.constant 0 : i32
      "tpu.region"() ({
        %run_scoped3A_57 = tpu.sem_alloc : memref<!tpu.dma_semaphore, #tpu.memory_space<semaphore_mem>>
        %dma_start3A = arith.constant 0 : i32
        %dma_start3A_58 = tpu.memref_slice %arg5[%run_scoped3A, %dma_start3A] : memref<1x10000xf32, #tpu.memory_space<vmem>> -> memref<1x10000xf32, #tpu.memory_space<vmem>>
        %dma_start3A_59 = tpu.memref_squeeze %dma_start3A_58 : memref<1x10000xf32, #tpu.memory_space<vmem>> -> memref<10000xf32, #tpu.memory_space<vmem>>
        %dma_start3A_60 = arith.constant 0 : i32
        %dma_start3A_61 = tpu.memref_slice %arg2[%while3A_47, %dma_start3A_60] : memref<10000x10000xf32, #tpu.memory_space<hbm>> -> memref<1x10000xf32, #tpu.memory_space<hbm>>
        %dma_start3A_62 = tpu.memref_squeeze %dma_start3A_61 : memref<1x10000xf32, #tpu.memory_space<hbm>> -> memref<10000xf32, #tpu.memory_space<hbm>>
        %dma_start3A_63 = arith.constant 0 : i32
        %dma_start3A_64 = tpu.memref_slice %arg5[%run_scoped3A, %dma_start3A_63] : memref<1x10000xf32, #tpu.memory_space<vmem>> -> memref<1x10000xf32, #tpu.memory_space<vmem>>
        %dma_start3A_65 = tpu.memref_squeeze %dma_start3A_64 : memref<1x10000xf32, #tpu.memory_space<vmem>> -> memref<10000xf32, #tpu.memory_space<vmem>>
        %dma_start3A_66 = arith.constant 0 : i32
        %dma_start3A_67 = tpu.memref_slice %arg2[%while3A_47, %dma_start3A_66] : memref<10000x10000xf32, #tpu.memory_space<hbm>> -> memref<1x10000xf32, #tpu.memory_space<hbm>>
        %dma_start3A_68 = tpu.memref_squeeze %dma_start3A_67 : memref<1x10000xf32, #tpu.memory_space<hbm>> -> memref<10000xf32, #tpu.memory_space<hbm>>
        tpu.enqueue_dma source(%dma_start3A_68 : memref<10000xf32, #tpu.memory_space<hbm>>) target(%dma_start3A_65 : memref<10000xf32, #tpu.memory_space<vmem>>) target_semaphore(%run_scoped3A_57 : memref<!tpu.dma_semaphore, #tpu.memory_space<semaphore_mem>>)
        %dma_wait3A = arith.constant 0 : i32
        %dma_wait3A_69 = tpu.memref_slice %arg5[%run_scoped3A, %dma_wait3A] : memref<1x10000xf32, #tpu.memory_space<vmem>> -> memref<1x10000xf32, #tpu.memory_space<vmem>>
        %dma_wait3A_70 = tpu.memref_squeeze %dma_wait3A_69 : memref<1x10000xf32, #tpu.memory_space<vmem>> -> memref<10000xf32, #tpu.memory_space<vmem>>
        %dma_wait3A_71 = arith.constant 0 : i32
        %dma_wait3A_72 = tpu.memref_slice %arg2[%while3A_47, %dma_wait3A_71] : memref<10000x10000xf32, #tpu.memory_space<hbm>> -> memref<1x10000xf32, #tpu.memory_space<hbm>>
        %dma_wait3A_73 = tpu.memref_squeeze %dma_wait3A_72 : memref<1x10000xf32, #tpu.memory_space<hbm>> -> memref<10000xf32, #tpu.memory_space<hbm>>
        %dma_wait3A_74 = arith.constant 0 : i32
        %dma_wait3A_75 = tpu.memref_slice %arg5[%run_scoped3A, %dma_wait3A_74] : memref<1x10000xf32, #tpu.memory_space<vmem>> -> memref<1x10000xf32, #tpu.memory_space<vmem>>
        %dma_wait3A_76 = tpu.memref_squeeze %dma_wait3A_75 : memref<1x10000xf32, #tpu.memory_space<vmem>> -> memref<10000xf32, #tpu.memory_space<vmem>>
        %dma_wait3A_77 = arith.constant 0 : i32
        %dma_wait3A_78 = tpu.memref_slice %arg2[%while3A_47, %dma_wait3A_77] : memref<10000x10000xf32, #tpu.memory_space<hbm>> -> memref<1x10000xf32, #tpu.memory_space<hbm>>
        %dma_wait3A_79 = tpu.memref_squeeze %dma_wait3A_78 : memref<1x10000xf32, #tpu.memory_space<hbm>> -> memref<10000xf32, #tpu.memory_space<hbm>>
        tpu.wait_dma2 semaphore(%run_scoped3A_57 : memref<!tpu.dma_semaphore, #tpu.memory_space<semaphore_mem>>) src(%dma_wait3A_79 : memref<10000xf32, #tpu.memory_space<hbm>>) dst(%dma_wait3A_76 : memref<10000xf32, #tpu.memory_space<vmem>>)
        tpu.yield
      }) : () -> ()
      %mul3A_49 = arith.constant 16384 : i32
      %mul3A_50 = arith.muli %while3A_47, %mul3A_49 : i32
      %scan3A = arith.constant 0 : i32
      %scan3A_51 = arith.constant 0 : i32
      %scan3A_52 = arith.constant 125 : i32
      %scan3A_53 = arith.addi %scan3A_51, %scan3A_52 : i32
      %scan3A_54 = arith.constant 1 : i32
      %scan3A_55 = scf.for %scan3A_57 = %scan3A_51 to %scan3A_53 step %scan3A_54 iter_args(%scan3A_58 = %while3A_48) -> (i32)  : i32 {
        %mul3A_59 = arith.constant 5 : i32
        %mul3A_60 = arith.muli %scan3A_57, %mul3A_59 : i32
        %add3A_61 = arith.constant 0 : i32
        %add3A_62 = arith.addi %mul3A_60, %add3A_61 : i32
        %mul3A_63 = arith.constant 16 : i32
        %mul3A_64 = arith.muli %add3A_62, %mul3A_63 : i32
        %get3A = arith.constant 0 : i32
        %get3A_65 = tpu.memref_slice %arg5[%scan3A, %get3A] : memref<1x10000xf32, #tpu.memory_space<vmem>> -> memref<1x10000xf32, #tpu.memory_space<vmem>>
        %get3A_66 = tpu.memref_squeeze %get3A_65 : memref<1x10000xf32, #tpu.memory_space<vmem>> -> memref<10000xf32, #tpu.memory_space<vmem>>
        %get3A_67 = arith.index_cast %mul3A_64 : i32 to index
        %get3A_68 = tpu.vector_load %get3A_66[%get3A_67] {strides = array<i32>} : memref<10000xf32, #tpu.memory_space<vmem>>, vector<16xf32>,
        %ne3A_69 = arith.constant 0.000000e+00 : f32
        %ne3A_70 = vector.broadcast %ne3A_69 : f32 to vector<16xf32>
        %ne3A_71 = arith.cmpf one, %get3A_68, %ne3A_70 : vector<16xf32>
        %mul3A_72 = arith.constant 16 : i32
        %mul3A_73 = arith.muli %add3A_62, %mul3A_72 : i32
        %add3A_74 = arith.addi %mul3A_50, %mul3A_73 : i32
        %add3A_75 = vector.broadcast %add3A_74 : i32 to vector<16xi32>
        %add3A_76 = arith.addi %add3A_75, %iota3A : vector<16xi32>
        %swap3A_77 = arith.index_cast %scan3A_58 : i32 to index
        %swap3A_78 = tpu.vector_load %arg6[%swap3A_77] masked %ne3A_71 {strides = array<i32>} : memref<40960xi32, #tpu.memory_space<vmem>>, vector<16xi32>, vector<16xi1>
        tpu.vector_store %arg6[%swap3A_77], %add3A_76 masked %ne3A_71 {strides = array<i32>} : memref<40960xi32, #tpu.memory_space<vmem>>, vector<16xi32>, vector<16xi1>
        %all_reduce_population_count3A = tpu.all_reduce %ne3A_71 {dim = 0 : i64, kind = #tpu.reduction_kind<sum>} : vector<16xi1> -> vector<16xi32>
        %slice3A = vector.extract_strided_slice %all_reduce_population_count3A {offsets = [0], sizes = [1], strides = [1]} : vector<16xi32> to vector<1xi32>
        %squeeze3A = vector.extract %slice3A[0] : i32 from vector<1xi32>
        %add3A_79 = arith.addi %scan3A_58, %squeeze3A : i32
        %mul3A_80 = arith.constant 5 : i32
        %mul3A_81 = arith.muli %scan3A_57, %mul3A_80 : i32
        %add3A_82 = arith.constant 1 : i32
        %add3A_83 = arith.addi %mul3A_81, %add3A_82 : i32
        %mul3A_84 = arith.constant 16 : i32
        %mul3A_85 = arith.muli %add3A_83, %mul3A_84 : i32
        %get3A_86 = arith.constant 0 : i32
        %get3A_87 = tpu.memref_slice %arg5[%scan3A, %get3A_86] : memref<1x10000xf32, #tpu.memory_space<vmem>> -> memref<1x10000xf32, #tpu.memory_space<vmem>>
        %get3A_88 = tpu.memref_squeeze %get3A_87 : memref<1x10000xf32, #tpu.memory_space<vmem>> -> memref<10000xf32, #tpu.memory_space<vmem>>
        %get3A_89 = arith.index_cast %mul3A_85 : i32 to index
        %get3A_90 = tpu.vector_load %get3A_88[%get3A_89] {strides = array<i32>} : memref<10000xf32, #tpu.memory_space<vmem>>, vector<16xf32>,
        %ne3A_91 = arith.constant 0.000000e+00 : f32
        %ne3A_92 = vector.broadcast %ne3A_91 : f32 to vector<16xf32>
        %ne3A_93 = arith.cmpf one, %get3A_90, %ne3A_92 : vector<16xf32>
        %mul3A_94 = arith.constant 16 : i32
        %mul3A_95 = arith.muli %add3A_83, %mul3A_94 : i32
        %add3A_96 = arith.addi %mul3A_50, %mul3A_95 : i32
        %add3A_97 = vector.broadcast %add3A_96 : i32 to vector<16xi32>
        %add3A_98 = arith.addi %add3A_97, %iota3A : vector<16xi32>
        %swap3A_99 = arith.index_cast %add3A_79 : i32 to index
        %swap3A_100 = tpu.vector_load %arg6[%swap3A_99] masked %ne3A_93 {strides = array<i32>} : memref<40960xi32, #tpu.memory_space<vmem>>, vector<16xi32>, vector<16xi1>
        tpu.vector_store %arg6[%swap3A_99], %add3A_98 masked %ne3A_93 {strides = array<i32>} : memref<40960xi32, #tpu.memory_space<vmem>>, vector<16xi32>, vector<16xi1>
        %all_reduce_population_count3A_101 = tpu.all_reduce %ne3A_93 {dim = 0 : i64, kind = #tpu.reduction_kind<sum>} : vector<16xi1> -> vector<16xi32>
        %slice3A_102 = vector.extract_strided_slice %all_reduce_population_count3A_101 {offsets = [0], sizes = [1], strides = [1]} : vector<16xi32> to vector<1xi32>
        %squeeze3A_103 = vector.extract %slice3A_102[0] : i32 from vector<1xi32>
        %add3A_104 = arith.addi %add3A_79, %squeeze3A_103 : i32
        %mul3A_105 = arith.constant 5 : i32
        %mul3A_106 = arith.muli %scan3A_57, %mul3A_105 : i32
        %add3A_107 = arith.constant 2 : i32
        %add3A_108 = arith.addi %mul3A_106, %add3A_107 : i32
        %mul3A_109 = arith.constant 16 : i32
        %mul3A_110 = arith.muli %add3A_108, %mul3A_109 : i32
        %get3A_111 = arith.constant 0 : i32
        %get3A_112 = tpu.memref_slice %arg5[%scan3A, %get3A_111] : memref<1x10000xf32, #tpu.memory_space<vmem>> -> memref<1x10000xf32, #tpu.memory_space<vmem>>
        %get3A_113 = tpu.memref_squeeze %get3A_112 : memref<1x10000xf32, #tpu.memory_space<vmem>> -> memref<10000xf32, #tpu.memory_space<vmem>>
        %get3A_114 = arith.index_cast %mul3A_110 : i32 to index
        %get3A_115 = tpu.vector_load %get3A_113[%get3A_114] {strides = array<i32>} : memref<10000xf32, #tpu.memory_space<vmem>>, vector<16xf32>,
        %ne3A_116 = arith.constant 0.000000e+00 : f32
        %ne3A_117 = vector.broadcast %ne3A_116 : f32 to vector<16xf32>
        %ne3A_118 = arith.cmpf one, %get3A_115, %ne3A_117 : vector<16xf32>
        %mul3A_119 = arith.constant 16 : i32
        %mul3A_120 = arith.muli %add3A_108, %mul3A_119 : i32
        %add3A_121 = arith.addi %mul3A_50, %mul3A_120 : i32
        %add3A_122 = vector.broadcast %add3A_121 : i32 to vector<16xi32>
        %add3A_123 = arith.addi %add3A_122, %iota3A : vector<16xi32>
        %swap3A_124 = arith.index_cast %add3A_104 : i32 to index
        %swap3A_125 = tpu.vector_load %arg6[%swap3A_124] masked %ne3A_118 {strides = array<i32>} : memref<40960xi32, #tpu.memory_space<vmem>>, vector<16xi32>, vector<16xi1>
        tpu.vector_store %arg6[%swap3A_124], %add3A_123 masked %ne3A_118 {strides = array<i32>} : memref<40960xi32, #tpu.memory_space<vmem>>, vector<16xi32>, vector<16xi1>
        %all_reduce_population_count3A_126 = tpu.all_reduce %ne3A_118 {dim = 0 : i64, kind = #tpu.reduction_kind<sum>} : vector<16xi1> -> vector<16xi32>
        %slice3A_127 = vector.extract_strided_slice %all_reduce_population_count3A_126 {offsets = [0], sizes = [1], strides = [1]} : vector<16xi32> to vector<1xi32>
        %squeeze3A_128 = vector.extract %slice3A_127[0] : i32 from vector<1xi32>
        %add3A_129 = arith.addi %add3A_104, %squeeze3A_128 : i32
        %mul3A_130 = arith.constant 5 : i32
        %mul3A_131 = arith.muli %scan3A_57, %mul3A_130 : i32
        %add3A_132 = arith.constant 3 : i32
        %add3A_133 = arith.addi %mul3A_131, %add3A_132 : i32
        %mul3A_134 = arith.constant 16 : i32
        %mul3A_135 = arith.muli %add3A_133, %mul3A_134 : i32
        %get3A_136 = arith.constant 0 : i32
        %get3A_137 = tpu.memref_slice %arg5[%scan3A, %get3A_136] : memref<1x10000xf32, #tpu.memory_space<vmem>> -> memref<1x10000xf32, #tpu.memory_space<vmem>>
        %get3A_138 = tpu.memref_squeeze %get3A_137 : memref<1x10000xf32, #tpu.memory_space<vmem>> -> memref<10000xf32, #tpu.memory_space<vmem>>
        %get3A_139 = arith.index_cast %mul3A_135 : i32 to index
        %get3A_140 = tpu.vector_load %get3A_138[%get3A_139] {strides = array<i32>} : memref<10000xf32, #tpu.memory_space<vmem>>, vector<16xf32>,
        %ne3A_141 = arith.constant 0.000000e+00 : f32
        %ne3A_142 = vector.broadcast %ne3A_141 : f32 to vector<16xf32>
        %ne3A_143 = arith.cmpf one, %get3A_140, %ne3A_142 : vector<16xf32>
        %mul3A_144 = arith.constant 16 : i32
        %mul3A_145 = arith.muli %add3A_133, %mul3A_144 : i32
        %add3A_146 = arith.addi %mul3A_50, %mul3A_145 : i32
        %add3A_147 = vector.broadcast %add3A_146 : i32 to vector<16xi32>
        %add3A_148 = arith.addi %add3A_147, %iota3A : vector<16xi32>
        %swap3A_149 = arith.index_cast %add3A_129 : i32 to index
        %swap3A_150 = tpu.vector_load %arg6[%swap3A_149] masked %ne3A_143 {strides = array<i32>} : memref<40960xi32, #tpu.memory_space<vmem>>, vector<16xi32>, vector<16xi1>
        tpu.vector_store %arg6[%swap3A_149], %add3A_148 masked %ne3A_143 {strides = array<i32>} : memref<40960xi32, #tpu.memory_space<vmem>>, vector<16xi32>, vector<16xi1>
        %all_reduce_population_count3A_151 = tpu.all_reduce %ne3A_143 {dim = 0 : i64, kind = #tpu.reduction_kind<sum>} : vector<16xi1> -> vector<16xi32>
        %slice3A_152 = vector.extract_strided_slice %all_reduce_population_count3A_151 {offsets = [0], sizes = [1], strides = [1]} : vector<16xi32> to vector<1xi32>
        %squeeze3A_153 = vector.extract %slice3A_152[0] : i32 from vector<1xi32>
        %add3A_154 = arith.addi %add3A_129, %squeeze3A_153 : i32
        %mul3A_155 = arith.constant 5 : i32
        %mul3A_156 = arith.muli %scan3A_57, %mul3A_155 : i32
        %add3A_157 = arith.constant 4 : i32
        %add3A_158 = arith.addi %mul3A_156, %add3A_157 : i32
        %mul3A_159 = arith.constant 16 : i32
        %mul3A_160 = arith.muli %add3A_158, %mul3A_159 : i32
        %get3A_161 = arith.constant 0 : i32
        %get3A_162 = tpu.memref_slice %arg5[%scan3A, %get3A_161] : memref<1x10000xf32, #tpu.memory_space<vmem>> -> memref<1x10000xf32, #tpu.memory_space<vmem>>
        %get3A_163 = tpu.memref_squeeze %get3A_162 : memref<1x10000xf32, #tpu.memory_space<vmem>> -> memref<10000xf32, #tpu.memory_space<vmem>>
        %get3A_164 = arith.index_cast %mul3A_160 : i32 to index
        %get3A_165 = tpu.vector_load %get3A_163[%get3A_164] {strides = array<i32>} : memref<10000xf32, #tpu.memory_space<vmem>>, vector<16xf32>,
        %ne3A_166 = arith.constant 0.000000e+00 : f32
        %ne3A_167 = vector.broadcast %ne3A_166 : f32 to vector<16xf32>
        %ne3A_168 = arith.cmpf one, %get3A_165, %ne3A_167 : vector<16xf32>
        %mul3A_169 = arith.constant 16 : i32
        %mul3A_170 = arith.muli %add3A_158, %mul3A_169 : i32
        %add3A_171 = arith.addi %mul3A_50, %mul3A_170 : i32
        %add3A_172 = vector.broadcast %add3A_171 : i32 to vector<16xi32>
        %add3A_173 = arith.addi %add3A_172, %iota3A : vector<16xi32>
        %swap3A_174 = arith.index_cast %add3A_154 : i32 to index
        %swap3A_175 = tpu.vector_load %arg6[%swap3A_174] masked %ne3A_168 {strides = array<i32>} : memref<40960xi32, #tpu.memory_space<vmem>>, vector<16xi32>, vector<16xi1>
        tpu.vector_store %arg6[%swap3A_174], %add3A_173 masked %ne3A_168 {strides = array<i32>} : memref<40960xi32, #tpu.memory_space<vmem>>, vector<16xi32>, vector<16xi1>
        %all_reduce_population_count3A_176 = tpu.all_reduce %ne3A_168 {dim = 0 : i64, kind = #tpu.reduction_kind<sum>} : vector<16xi1> -> vector<16xi32>
        %slice3A_177 = vector.extract_strided_slice %all_reduce_population_count3A_176 {offsets = [0], sizes = [1], strides = [1]} : vector<16xi32> to vector<1xi32>
        %squeeze3A_178 = vector.extract %slice3A_177[0] : i32 from vector<1xi32>
        %add3A_179 = arith.addi %add3A_154, %squeeze3A_178 : i32
        scf.yield %add3A_179 : i32
      }
      %scan3A_56 = arith.constant 125 : i32
      scf.yield %scan3A_55 : i32
    }
    %broadcast_in_dim3A = vector.broadcast %while3A_15 : i32 to vector<16xi32>
    %swap3A = arith.constant 0 : index
    %swap3A_16 = tpu.vector_load %arg7[%swap3A] {strides = array<i32>} : memref<16xi32, #tpu.memory_space<vmem>>, vector<16xi32>,
    tpu.vector_store %arg7[%swap3A], %broadcast_in_dim3A {strides = array<i32>} : memref<16xi32, #tpu.memory_space<vmem>>, vector<16xi32>,
    "tpu.region"() ({
      %run_scoped3A = tpu.sem_alloc : memref<!tpu.dma_semaphore, #tpu.memory_space<semaphore_mem>>
      %dma_start3A = arith.constant 0 : i32
      %dma_start3A_47 = tpu.memref_slice %arg4[%add3A, %dma_start3A] : memref<32x16xi32, #tpu.memory_space<hbm>> -> memref<1x16xi32, #tpu.memory_space<hbm>>
      %dma_start3A_48 = tpu.memref_squeeze %dma_start3A_47 : memref<1x16xi32, #tpu.memory_space<hbm>> -> memref<16xi32, #tpu.memory_space<hbm>>
      %dma_start3A_49 = arith.constant 0 : i32
      %dma_start3A_50 = tpu.memref_slice %arg4[%add3A, %dma_start3A_49] : memref<32x16xi32, #tpu.memory_space<hbm>> -> memref<1x16xi32, #tpu.memory_space<hbm>>
      %dma_start3A_51 = tpu.memref_squeeze %dma_start3A_50 : memref<1x16xi32, #tpu.memory_space<hbm>> -> memref<16xi32, #tpu.memory_space<hbm>>
      tpu.enqueue_dma source(%arg7 : memref<16xi32, #tpu.memory_space<vmem>>) target(%dma_start3A_51 : memref<16xi32, #tpu.memory_space<hbm>>) target_semaphore(%run_scoped3A : memref<!tpu.dma_semaphore, #tpu.memory_space<semaphore_mem>>)
      %dma_wait3A = arith.constant 0 : i32
      %dma_wait3A_52 = tpu.memref_slice %arg4[%add3A, %dma_wait3A] : memref<32x16xi32, #tpu.memory_space<hbm>> -> memref<1x16xi32, #tpu.memory_space<hbm>>
      %dma_wait3A_53 = tpu.memref_squeeze %dma_wait3A_52 : memref<1x16xi32, #tpu.memory_space<hbm>> -> memref<16xi32, #tpu.memory_space<hbm>>
      %dma_wait3A_54 = arith.constant 0 : i32
      %dma_wait3A_55 = tpu.memref_slice %arg4[%add3A, %dma_wait3A_54] : memref<32x16xi32, #tpu.memory_space<hbm>> -> memref<1x16xi32, #tpu.memory_space<hbm>>
      %dma_wait3A_56 = tpu.memref_squeeze %dma_wait3A_55 : memref<1x16xi32, #tpu.memory_space<hbm>> -> memref<16xi32, #tpu.memory_space<hbm>>
      tpu.wait_dma2 semaphore(%run_scoped3A : memref<!tpu.dma_semaphore, #tpu.memory_space<semaphore_mem>>) src(%arg7 : memref<16xi32, #tpu.memory_space<vmem>>) dst(%dma_wait3A_56 : memref<16xi32, #tpu.memory_space<hbm>>)
      tpu.yield
    }) : () -> ()
    %add3A_17 = arith.constant 512 : i32
    %add3A_18 = arith.addi %while3A_15, %add3A_17 : i32
    %sub3A = arith.constant 1 : i32
    %sub3A_19 = arith.subi %add3A_18, %sub3A : i32
    %jit3A = arith.constant 512 : i32
    %div3A = arith.divsi %sub3A_19, %jit3A : i32
    %sign3A = arith.constant 0 : i32
    %sign3A_20 = arith.cmpi sgt, %sub3A_19, %sign3A : i32
    %sign3A_21 = arith.extui %sign3A_20 : i1 to i32
    %sign3A_22 = arith.constant 0 : i32
    %sign3A_23 = arith.cmpi slt, %sub3A_19, %sign3A_22 : i32
    %sign3A_24 = arith.extui %sign3A_23 : i1 to i32
    %sign3A_25 = arith.subi %sign3A_21, %sign3A_24 : i32
    %sign3A_26 = arith.constant 0 : i32
    %sign3A_27 = arith.cmpi sgt, %jit3A, %sign3A_26 : i32
    %sign3A_28 = arith.extui %sign3A_27 : i1 to i32
    %sign3A_29 = arith.constant 0 : i32
    %sign3A_30 = arith.cmpi slt, %jit3A, %sign3A_29 : i32
    %sign3A_31 = arith.extui %sign3A_30 : i1 to i32
    %sign3A_32 = arith.subi %sign3A_28, %sign3A_31 : i32
    %ne3A = arith.cmpi ne, %sign3A_25, %sign3A_32 : i32
    %rem3A = arith.remsi %sub3A_19, %jit3A : i32
    %ne3A_33 = arith.constant 0 : i32
    %ne3A_34 = arith.cmpi ne, %rem3A, %ne3A_33 : i32
    %and3A = arith.andi %ne3A, %ne3A_34 : i1
    %sub3A_35 = arith.constant 1 : i32
    %sub3A_36 = arith.subi %div3A, %sub3A_35 : i32
    %select_n3A = arith.select %and3A, %sub3A_36, %div3A : i32
    %while3A_37 = arith.constant 0 : i32
    %while3A_38 = arith.constant 0 : i32
    %while3A_39 = arith.subi %select_n3A, %while3A_38 : i32
    %while3A_40 = arith.addi %while3A_38, %while3A_39 : i32
    %while3A_41 = arith.constant 1 : i32
    %while3A_42 = arith.divsi %while3A_39, %while3A_41 : i32
    %while3A_43 = arith.muli %while3A_42, %while3A_41 : i32
    %while3A_44 = arith.addi %while3A_38, %while3A_43 : i32
    %while3A_45 = arith.constant 1 : i32
    scf.for %while3A_47 = %while3A_38 to %while3A_44 step %while3A_45  : i32 {
      %mul3A_48 = arith.constant 512 : i32
      %mul3A_49 = arith.muli %while3A_47, %mul3A_48 : i32
      %mul3A_50 = arith.constant 512 : i32
      %mul3A_51 = arith.muli %while3A_47, %mul3A_50 : i32
      "tpu.region"() ({
        %run_scoped3A = tpu.sem_alloc : memref<!tpu.dma_semaphore, #tpu.memory_space<semaphore_mem>>
        %dma_start3A = tpu.memref_slice %arg6[%mul3A_49] : memref<40960xi32, #tpu.memory_space<vmem>> -> memref<512xi32, #tpu.memory_space<vmem>>
        %dma_start3A_52 = arith.constant 0 : i32
        %dma_start3A_53 = tpu.memref_slice %arg3[%add3A, %dma_start3A_52] : memref<32x40960xi32, #tpu.memory_space<hbm>> -> memref<1x40960xi32, #tpu.memory_space<hbm>>
        %dma_start3A_54 = tpu.memref_squeeze %dma_start3A_53 : memref<1x40960xi32, #tpu.memory_space<hbm>> -> memref<40960xi32, #tpu.memory_space<hbm>>
        %dma_start3A_55 = tpu.memref_slice %dma_start3A_54[%mul3A_51] : memref<40960xi32, #tpu.memory_space<hbm>> -> memref<512xi32, #tpu.memory_space<hbm>>
        %dma_start3A_56 = arith.constant 0 : i32
        %dma_start3A_57 = tpu.memref_slice %arg3[%add3A, %dma_start3A_56] : memref<32x40960xi32, #tpu.memory_space<hbm>> -> memref<1x40960xi32, #tpu.memory_space<hbm>>
        %dma_start3A_58 = tpu.memref_squeeze %dma_start3A_57 : memref<1x40960xi32, #tpu.memory_space<hbm>> -> memref<40960xi32, #tpu.memory_space<hbm>>
        %dma_start3A_59 = tpu.memref_slice %dma_start3A_58[%mul3A_51] : memref<40960xi32, #tpu.memory_space<hbm>> -> memref<512xi32, #tpu.memory_space<hbm>>
        %dma_start3A_60 = tpu.memref_slice %arg6[%mul3A_49] : memref<40960xi32, #tpu.memory_space<vmem>> -> memref<512xi32, #tpu.memory_space<vmem>>
        tpu.enqueue_dma source(%dma_start3A_60 : memref<512xi32, #tpu.memory_space<vmem>>) target(%dma_start3A_59 : memref<512xi32, #tpu.memory_space<hbm>>) target_semaphore(%run_scoped3A : memref<!tpu.dma_semaphore, #tpu.memory_space<semaphore_mem>>)
        %dma_wait3A = tpu.memref_slice %arg6[%mul3A_49] : memref<40960xi32, #tpu.memory_space<vmem>> -> memref<512xi32, #tpu.memory_space<vmem>>
        %dma_wait3A_61 = arith.constant 0 : i32
        %dma_wait3A_62 = tpu.memref_slice %arg3[%add3A, %dma_wait3A_61] : memref<32x40960xi32, #tpu.memory_space<hbm>> -> memref<1x40960xi32, #tpu.memory_space<hbm>>
        %dma_wait3A_63 = tpu.memref_squeeze %dma_wait3A_62 : memref<1x40960xi32, #tpu.memory_space<hbm>> -> memref<40960xi32, #tpu.memory_space<hbm>>
        %dma_wait3A_64 = tpu.memref_slice %dma_wait3A_63[%mul3A_51] : memref<40960xi32, #tpu.memory_space<hbm>> -> memref<512xi32, #tpu.memory_space<hbm>>
        %dma_wait3A_65 = arith.constant 0 : i32
        %dma_wait3A_66 = tpu.memref_slice %arg3[%add3A, %dma_wait3A_65] : memref<32x40960xi32, #tpu.memory_space<hbm>> -> memref<1x40960xi32, #tpu.memory_space<hbm>>
        %dma_wait3A_67 = tpu.memref_squeeze %dma_wait3A_66 : memref<1x40960xi32, #tpu.memory_space<hbm>> -> memref<40960xi32, #tpu.memory_space<hbm>>
        %dma_wait3A_68 = tpu.memref_slice %dma_wait3A_67[%mul3A_51] : memref<40960xi32, #tpu.memory_space<hbm>> -> memref<512xi32, #tpu.memory_space<hbm>>
        %dma_wait3A_69 = tpu.memref_slice %arg6[%mul3A_49] : memref<40960xi32, #tpu.memory_space<vmem>> -> memref<512xi32, #tpu.memory_space<vmem>>
        tpu.wait_dma2 semaphore(%run_scoped3A : memref<!tpu.dma_semaphore, #tpu.memory_space<semaphore_mem>>) src(%dma_wait3A_69 : memref<512xi32, #tpu.memory_space<vmem>>) dst(%dma_wait3A_68 : memref<512xi32, #tpu.memory_space<hbm>>)
        tpu.yield
      }) : () -> ()
    }
    %while3A_46 = arith.constant 1 : i32
    scf.for %while3A_47 = %while3A_44 to %while3A_40 step %while3A_46  : i32 {
      %mul3A_48 = arith.constant 512 : i32
      %mul3A_49 = arith.muli %while3A_47, %mul3A_48 : i32
      %mul3A_50 = arith.constant 512 : i32
      %mul3A_51 = arith.muli %while3A_47, %mul3A_50 : i32
      "tpu.region"() ({
        %run_scoped3A = tpu.sem_alloc : memref<!tpu.dma_semaphore, #tpu.memory_space<semaphore_mem>>
        %dma_start3A = tpu.memref_slice %arg6[%mul3A_49] : memref<40960xi32, #tpu.memory_space<vmem>> -> memref<512xi32, #tpu.memory_space<vmem>>
        %dma_start3A_52 = arith.constant 0 : i32
        %dma_start3A_53 = tpu.memref_slice %arg3[%add3A, %dma_start3A_52] : memref<32x40960xi32, #tpu.memory_space<hbm>> -> memref<1x40960xi32, #tpu.memory_space<hbm>>
        %dma_start3A_54 = tpu.memref_squeeze %dma_start3A_53 : memref<1x40960xi32, #tpu.memory_space<hbm>> -> memref<40960xi32, #tpu.memory_space<hbm>>
        %dma_start3A_55 = tpu.memref_slice %dma_start3A_54[%mul3A_51] : memref<40960xi32, #tpu.memory_space<hbm>> -> memref<512xi32, #tpu.memory_space<hbm>>
        %dma_start3A_56 = arith.constant 0 : i32
        %dma_start3A_57 = tpu.memref_slice %arg3[%add3A, %dma_start3A_56] : memref<32x40960xi32, #tpu.memory_space<hbm>> -> memref<1x40960xi32, #tpu.memory_space<hbm>>
        %dma_start3A_58 = tpu.memref_squeeze %dma_start3A_57 : memref<1x40960xi32, #tpu.memory_space<hbm>> -> memref<40960xi32, #tpu.memory_space<hbm>>
        %dma_start3A_59 = tpu.memref_slice %dma_start3A_58[%mul3A_51] : memref<40960xi32, #tpu.memory_space<hbm>> -> memref<512xi32, #tpu.memory_space<hbm>>
        %dma_start3A_60 = tpu.memref_slice %arg6[%mul3A_49] : memref<40960xi32, #tpu.memory_space<vmem>> -> memref<512xi32, #tpu.memory_space<vmem>>
        tpu.enqueue_dma source(%dma_start3A_60 : memref<512xi32, #tpu.memory_space<vmem>>) target(%dma_start3A_59 : memref<512xi32, #tpu.memory_space<hbm>>) target_semaphore(%run_scoped3A : memref<!tpu.dma_semaphore, #tpu.memory_space<semaphore_mem>>)
        %dma_wait3A = tpu.memref_slice %arg6[%mul3A_49] : memref<40960xi32, #tpu.memory_space<vmem>> -> memref<512xi32, #tpu.memory_space<vmem>>
        %dma_wait3A_61 = arith.constant 0 : i32
        %dma_wait3A_62 = tpu.memref_slice %arg3[%add3A, %dma_wait3A_61] : memref<32x40960xi32, #tpu.memory_space<hbm>> -> memref<1x40960xi32, #tpu.memory_space<hbm>>
        %dma_wait3A_63 = tpu.memref_squeeze %dma_wait3A_62 : memref<1x40960xi32, #tpu.memory_space<hbm>> -> memref<40960xi32, #tpu.memory_space<hbm>>
        %dma_wait3A_64 = tpu.memref_slice %dma_wait3A_63[%mul3A_51] : memref<40960xi32, #tpu.memory_space<hbm>> -> memref<512xi32, #tpu.memory_space<hbm>>
        %dma_wait3A_65 = arith.constant 0 : i32
        %dma_wait3A_66 = tpu.memref_slice %arg3[%add3A, %dma_wait3A_65] : memref<32x40960xi32, #tpu.memory_space<hbm>> -> memref<1x40960xi32, #tpu.memory_space<hbm>>
        %dma_wait3A_67 = tpu.memref_squeeze %dma_wait3A_66 : memref<1x40960xi32, #tpu.memory_space<hbm>> -> memref<40960xi32, #tpu.memory_space<hbm>>
        %dma_wait3A_68 = tpu.memref_slice %dma_wait3A_67[%mul3A_51] : memref<40960xi32, #tpu.memory_space<hbm>> -> memref<512xi32, #tpu.memory_space<hbm>>
        %dma_wait3A_69 = tpu.memref_slice %arg6[%mul3A_49] : memref<40960xi32, #tpu.memory_space<vmem>> -> memref<512xi32, #tpu.memory_space<vmem>>
        tpu.wait_dma2 semaphore(%run_scoped3A : memref<!tpu.dma_semaphore, #tpu.memory_space<semaphore_mem>>) src(%dma_wait3A_69 : memref<512xi32, #tpu.memory_space<vmem>>) dst(%dma_wait3A_68 : memref<512xi32, #tpu.memory_space<hbm>>)
        tpu.yield
      }) : () -> ()
    }
    return
  }
}

</mosaic_0001>

<sc_bundles>
// kernel: _extract.3.cloned.1.call-start
scs
__scs_entry_jumppad:
0x0: {  	(pc) =	sbr.rel $0x88, $3  }
0x1: {  	(tag) =	ssettag $0x0;
	lr =	simm.s32 $0x1  }
0x2: {  	[smem:$0x3FA0] =	sst lr;
	_ =	strace $0xD0000000  }
0x3: {  	_ = 	snop  }
0x4: {  	_ = 	snop  }
0x5: {  	_ = 	snop  }
0x6: {  	_ = 	snop  }
0x7: {  	_ = 	snop  }
__scs_overlays_trampoline_lowered:
0x8: {  	[smem:$0x3FAF] =	sst s0  }
0x9: {  	[smem:$0x3FB0] =	sst s1  }
0xa: {  	[smem:$0x3FB1] =	sst s2  }
0xb: {  	[smem:$0x3FB2] =	sst s3  }
0xc: {  	[smem:$0x3FB3] =	sst s4  }
0xd: {  	[smem:$0x3FB4] =	sst s5  }
0xe: {  	[smem:$0x3FB5] =	sst s6  }
0xf: {  	[smem:$0x3FB6] =	sst s7  }
0x10: {  	[smem:$0x3FB7] =	sst s8  }
0x11: {  	[smem:$0x3FB8] =	sst s9;
	s0 =	simm.s32 @!p0 $0x0  }
0x12: {  	s1 =	sld [smem:$0x3F9E];
	s0 =	simm.s32 @p0 $0x1  }
0x13: {  	[smem:$0x3FB9] =	sst s0;
	s0 =	simm.s32 @!p1 $0x0  }
0x14: {  	s2 =	sld [smem:$0x3F9D];
	s0 =	simm.s32 @p1 $0x1  }
0x15: {  	[smem:$0x3FBA] =	sst s0;
	s0 =	simm.s32 @!p2 $0x0  }
0x16: {  	s3 =	sld [smem:$0x3FDB];
	s0 =	simm.s32 @p2 $0x1  }
0x17: {  	s4 =	simm.s32 $0x1BF5;
	[smem:$0x3FBC] =	sst s0  }
0x18: {  	s0 =	sld [smem:$0x3F9F];
	_ =	swait.ge [sflag:s4], $0x0  }
0x19: {  	s7 =	sld [smem:$0x3FA0]  }
0x1a: {  	s8 =	sadd.s32 $0xFFFFE003, lr  }
0x1b: {  	s9 =	sadd.s32 $0xFFFFFEF7, lr;
	s5 =	simm.s32 $0xFFFFFFFF;
	p2 =	slt.u32 s8, $0xFFFFF086  }
0x1c: {  	p1 =	slt.u32 s9, $0xF7A;
	s5 =	simm.s32 @!p2 $0x0  }
0x1d: {  	s5 =	simm.s32 @p1 $0x1;
	p0 =	seq.s32 s7, s2  }
0x1e: {  	s7 =	smul.u32 @!p0 $0xF7A, s2;
	p2 =	seq.s32 @!p0 s5, $0x0  }
0x1f: {  	s9 =	smul.u32 $0xF7A, s1;
	s8 =	simm.s32 @!p0 $0x1BF5;
	p2 =	por !p2, p0  }
0x20: {  	[sflag:s8] =	ssyncset.s32 @!p0 $0xFFFFF086;
	s6 =	sadd.s32 @!p0 s3, s7;
	s7 =	simm.s32 @!p0 $0x108  }
0x21: {  	s3 =	sadd.s32 s3, s9;
	s6 =	sadd.s32 @!p0 $0x88, s6;
	s7 =	simm.s32 @p2 $0x1082  }
0x22: {  	[simem:s7], [sflag:s8] =	dma.local @!p0 [hbm:s6], $0xF7A  }
0x23: {  	s9 =	sor.u32 $0xD0000000, s2;
	s6 =	simm.s32 $0x108;
	_ =	swait.ge @!p0 [sflag:s8], $0x0  }
0x24: {  	s3 =	sadd.s32 $0x88, s3;
	s6 =	simm.s32 @!p1 $0x1082;
	[sflag:s4] =	ssyncset.s32 $0xFFFFF086  }
0x25: {  	[simem:s6], [sflag:s4] =	dma.local [hbm:s3], $0xF7A  }
0x26: {  	[smem:$0x3FA0] =	sst s1;
	(tag) =	ssettag s2;
	_ =	strace s9  }
0x27: {  	s1 =	sld [smem:$0x3FB0]  }
0x28: {  	s2 =	sld [smem:$0x3FB1]  }
0x29: {  	s4 =	sld [smem:$0x3FB3]  }
0x2a: {  	p0 =	seq.s32 s5, $0x0;
	s5 =	sld [smem:$0x3FB4]  }
0x2b: {  	s6 =	sld [smem:$0x3FB5]  }
0x2c: {  	s7 =	sld [smem:$0x3FB6]  }
0x2d: {  	s3 =	simm.s32 $0x108;
	s8 =	sld [smem:$0x3FB7]  }
0x2e: {  	s3 =	simm.s32 @!p0 $0x1082;
	s9 =	sld [smem:$0x3FB8]  }
0x2f: {  	lr =	sadd.s32 s0, s3;
	s0 =	sld [smem:$0x3FAF]  }
0x30: {  	s3 =	sld [smem:$0x3FB2]  }
0x31: {  	[smem:$0x3FBB] =	sst s10  }
0x32: {  	s10 =	sld [smem:$0x3FB9];
	_ =	sdelay $0x3  }
0x33: {  	p0 =	seq.s32 s10, $0x1;
	s10 =	sld [smem:$0x3FBB];
	_ =	sdelay $0x3  }
0x34: {  	[smem:$0x3FBB] =	sst s10  }
0x35: {  	s10 =	sld [smem:$0x3FBA];
	_ =	sdelay $0x3  }
0x36: {  	p1 =	seq.s32 s10, $0x1;
	s10 =	sld [smem:$0x3FBB];
	_ =	sdelay $0x3  }
0x37: {  	[smem:$0x3FBB] =	sst s10  }
0x38: {  	s10 =	sld [smem:$0x3FBC]  }
0x39: {  	_ = 	snop;
	(pc) =	sbr.ind lr, $3  }
0x3a: {  	_ = 	snop  }
0x3b: {  	_ = 	snop  }
0x3c: {  	p2 =	seq.s32 s10, $0x1;
	s10 =	sld [smem:$0x3FBB]  }
0x3d: {  	_ =	shalt  }
0x3e: {  	_ =	shalt  }
0x3f: {  	_ =	shalt  }
0x40: {  	_ =	shalt  }
0x41: {  	_ =	shalt  }
0x42: {  	_ =	shalt  }
0x43: {  	_ =	shalt  }
0x44: {  	_ =	shalt  }
0x45: {  	_ =	shalt  }
0x46: {  	_ =	shalt  }
0x47: {  	_ =	shalt  }
0x48: {  	_ =	shalt  }
0x49: {  	_ =	shalt  }
0x4a: {  	_ =	shalt  }
0x4b: {  	_ =	shalt  }
0x4c: {  	_ =	shalt  }
0x4d: {  	_ =	shalt  }
0x4e: {  	_ =	shalt  }
0x4f: {  	_ =	shalt  }
0x50: {  	_ =	shalt  }
0x51: {  	_ =	shalt  }
0x52: {  	_ =	shalt  }
0x53: {  	_ =	shalt  }
0x54: {  	_ =	shalt  }
0x55: {  	_ =	shalt  }
0x56: {  	_ =	shalt  }
0x57: {  	_ =	shalt  }
0x58: {  	_ =	shalt  }
0x59: {  	_ =	shalt  }
0x5a: {  	_ =	shalt  }
0x5b: {  	_ =	shalt  }
0x5c: {  	_ =	shalt  }
0x5d: {  	_ =	shalt  }
0x5e: {  	_ =	shalt  }
0x5f: {  	_ =	shalt  }
0x60: {  	_ =	shalt  }
0x61: {  	_ =	shalt  }
0x62: {  	_ =	shalt  }
0x63: {  	_ =	shalt  }
0x64: {  	_ =	shalt  }
0x65: {  	_ =	shalt  }
0x66: {  	_ =	shalt  }
0x67: {  	_ =	shalt  }
0x68: {  	_ =	shalt  }
0x69: {  	_ =	shalt  }
0x6a: {  	_ =	shalt  }
0x6b: {  	_ =	shalt  }
0x6c: {  	_ =	shalt  }
0x6d: {  	_ =	shalt  }
0x6e: {  	_ =	shalt  }
0x6f: {  	_ =	shalt  }
0x70: {  	_ =	shalt  }
0x71: {  	_ =	shalt  }
0x72: {  	_ =	shalt  }
0x73: {  	_ =	shalt  }
0x74: {  	_ =	shalt  }
0x75: {  	_ =	shalt  }
0x76: {  	_ =	shalt  }
0x77: {  	_ =	shalt  }
0x78: {  	_ =	shalt  }
0x79: {  	_ =	shalt  }
0x7a: {  	_ =	shalt  }
0x7b: {  	_ =	shalt  }
0x7c: {  	_ =	shalt  }
0x7d: {  	_ =	shalt  }
0x7e: {  	_ =	shalt  }
0x7f: {  	_ =	shalt  }
0x80: {  	_ =	shalt  }
0x81: {  	_ =	shalt  }
0x82: {  	_ =	shalt  }
0x83: {  	_ =	shalt  }
0x84: {  	_ =	shalt  }
0x85: {  	_ =	shalt  }
0x86: {  	_ =	shalt  }
0x87: {  	_ =	shalt  }
.Lfunc_end0:
.L_simem_size_0:
called_computation_lowered:
.L_overlay_start_0:
0x88: {  	s2 =	sld [smem:$0x3FD9]  }
0x89: {  	s3 =	sld [smem:$0x3FFE];
	_ =	sdelay $0x1  }
0x8a: {  	s1 =	srdreg.scid  }
0x8b: {  	s0 =	sand.u32 $0x1, s1  }
0x8c: {  	s14 =	sshll.u32 s0, $0xA;
	s2 =	sadd.s32 s3, s2  }
0x8d: {  	s2 =	sadd.s32 s2, s14  }
0x8e: {  	[smem:$0x3FC7] =	sst s2  }
0x8f: {  	_ = 	snop  }
0x90: {  	s2 =	sld [smem:$0x3FD0];
	_ =	sdelay $0x2  }
0x91: {  	s4 =	simm.s32 $0xA;
	s5 =	simm.s32 $0x10;
	s15 =	sld [smem:$0x3FC9]  }
0x92: {  	[smem:s5], [sflag:s4] =	dma.local [hbm:s2], $0x1  }
0x93: {  	_ =	swait.eq [sflag:s4], $0x1  }
0x94: {  	[sflag:s4] =	ssyncset.done $0x0  }
0x95: {  	[sflag:s4] =	ssyncadd.s32 $0xFFFFFFFF  }
0x96: {  	s16 =	sld [smem:$0x10];
	(tm) =	ssettm $0x1  }
0x97: {  	s17 =	sld [smem:$0x3FFB];
	_ =	sdelay $0x3  }
0x98: {  	_ =	strace s17  }
0x99: {  	s4 =	sld [smem:$0x3FFC];
	_ =	sdelay $0x3  }
0x9a: {  	_ =	strace s4  }
0x9b: {  	s4 =	sld [smem:$0x3FFD];
	_ =	sdelay $0x3  }
0x9c: {  	_ =	strace s4  }
0x9d: {  	_ =	strace $0x8FFFFFFF  }
0x9e: {  	s18 =	sld [smem:$0x3FDB];
	_ =	sdelay $0x1  }
0x9f: {  	s19 =	simm.s32 $_scs_section_size  }
0xa0: {  	s6 =	simm.s32 $_size__tile_overlayer_lowered;
	s7 =	simm.s32 $_tile_overlayer_lowered  }
0xa1: {  	s22 =	simm.s32 $0x1BFF;
	s21 =	sshll.u32 s7, $0x1;
	s4 =	sadd.s32 s19, s18  }
0xa2: {  	s8 =	simm.s32 $0x0;
	s20 =	sshll.u32 s6, $0x1;
	s6 =	sadd.s32 s21, s4  }
0xa3: {  	[timem:s8], [sflag:s22] =	dma.local [hbm:s6], s20  }
0xa4: {  	_ =	swait.ge [sflag:s22], s20  }
0xa5: {  	s5 =	ssub.s32 $0x0, s20;
	[sflag:s22] =	ssyncset.done $0x0  }
0xa6: {  	[sflag:s22] =	ssyncadd.s32 s5;
	_ =	sdelay $0x1  }
0xa7: {  	s23 =	simm.s32 $0x1B8B  }
0xa8: {  	_ =	swait.ge [sflag:s23], $0x1  }
0xa9: {  	[sflag:s23] =	ssyncset.done $0x0  }
0xaa: {  	s25 =	simm.s32 $0x1B8E;
	s24 =	sld [smem:$0x3FFE];
	[sflag:s23] =	ssyncadd.s32 $0xFFFFFFFF  }
0xab: {  	s26 =	simm.s32 $execute0_lowered;
	[smem:$0x3FD2] =	sst s25  }
0xac: {  	s6 =	sshll.u32 s26, $0x1;
	_ =	strace $0x80000046;
	[dreg:$0x1] =	wrdreg $0xFFFFFFFF  }
0xad: {  	s28 =	simm.s32 $_size_execute0_lowered;
	s4 =	sadd.s32 s4, s6;
	[dreg:$0x0] =	wrdreg $0x0  }
0xae: {  	s6 =	sshll.u32 s28, $0x1;
	[dreg:$0x2] =	wrdreg s4  }
0xaf: {  	[dreg:$0x3] =	wrdreg s6  }
0xb0: {  	[dreg:$0x4] =	wrdreg $0xC0  }
0xb1: {  	_ =	task [dreg:s8], $0x5FFFF  }
0xb2: {  	[dreg:$0x1] =	wrdreg $0xFFFFFFFF  }
0xb3: {  	[dreg:$0x0] =	wrdreg $0x60  }
0xb4: {  	[dreg:$0x2] =	wrdreg s15  }
0xb5: {  	[dreg:$0x3] =	wrdreg s16  }
0xb6: {  	[dreg:$0x4] =	wrdreg s24  }
0xb7: {  	[dreg:$0x5] =	wrdreg $0x9  }
0xb8: {  	_ =	task.clear_ibuf [dreg:s8], $0x6FFFF;
	_ =	strace $0x90000046  }
0xb9: {  	s29 =	simm.s32 $0x9;
	_ =	strace $0x80000048  }
0xba: {  	_ =	swait.ge [sflag:s29], $0x1  }
0xbb: {  	[sflag:s29] =	ssyncadd.s32 $0xFFFFFFFF  }
0xbc: {  	_ =	strace $0x90000048  }
0xbd: {  	_ =	sfence  }
0xbe: {  	s30 =	sld [smem:$0x0];
	_ =	sdelay $0x2  }
0xbf: {  	s31 =	sshll.u32 s1, $0xD;
	s1 =	sshrl.u32 s1, $0x2  }
0xc0: {  	s3 =	sand.u32 $0x4000, s31;
	s1 =	sadd.s32 s1, s30  }
0xc1: {  	s0 =	sor.u32 s3, s0;
	s1 =	sshll.u32 s1, $0x11  }
0xc2: {  	s0 =	sor.u32 s1, s0  }
0xc3: {  	s0 =	sadd.s32 $0x8F2B, s0  }
0xc4: {  	[sflag:s0] =	ssyncadd.remote.s32 $0x1  }
0xc5: {  	_ =	sfence.sel $0xFFFF  }
0xc6: {  	[dreg:$0x0] =	wrdreg $0xFFFFFFFF;
	(pc) =	sbr.abs _section_cstart, $3  }
0xc7: {  	[dreg:$0x1] =	wrdreg $0xFFFFFFFF  }
0xc8: {  	_ =	task.clear_ibuf [dreg:s8], $0x2FFFF;
	_ =	strace $0x9FFFFFFF  }
0xc9: {  	(tm) =	ssettm $0x7FFFFFFF  }
tec
execute0_lowered:
.L_overlay_start_1:
0x0: {  	(tag) =	ssettag $0x1  }
0x1: {  	s1 =	rddreg [dreg:$0x0]  }
0x2: {  	s7 =	rddreg [dreg:$0x1];
	s2 =	srdreg.scid  }
0x3: {  	s0 =	stileid.u32;
	s5 =	rddreg [dreg:$0x2]  }
0x4: {  	s3 =	simm.s32 $0x0;
	s13 =	simm.s32 $0xC780;
	s14 =	simm.s32 $0x0  }
0x5: {  	s6 =	sand.u32 $0x1, s2;
	s4 =	sshll.u32 s0, $0x1;
	s2 =	rddreg [dreg:$0x3]  }
0x6: {  	[smem:$0x7FF] =	sst s3;
	s8 =	sshrl.u32 s0, $0x2;
	s29 =	smul.u32 $0x9C8000, s0  }
0x7: {  	s4 =	sor.u32 s6, s4;
	s10 =	sshll.u32 s8, $0xA;
	s8 =	smul.u32 $0x50000, s8  }
0x8: {  	_ =	strace $0x80000047;
	s11 =	ssub.s32 $0x2, s6;
	s31 =	smul.u32 $0x4E4000, s6  }
0x9: {  	s9 =	sshll.u32 s4, $0x7;
	s4 =	smul.u32 $0x139, s4;
	s12 =	sshrl.u32 s11, $0x1  }
0xa: {  	s9 =	sand.u32 $0x380, s9;
	s11 =	ssub.s32 s11, s12;
	s12 =	simm.s32 $0x1  }
.Ltmp0:
0xb: {  	s10 =	sor.u32 s10, s9;
	s30 =	smin.u32 s4, $0x25D7;
	(pc) =	sbr.rel .LBB2_1-.Ltmp0, $4  }
0xc: {  	s8 =	sor.u32 s8, s9;
	s9 =	sadd.s32 s31, s29;
	s10 =	sshrl.u32 s10, $0x3  }
0xd: {  	s8 =	sshrl.u32 s8, $0x3;
	s10 =	sadd.s32 s10, s5;
	s5 =	sadd.s32 $0x139, s30  }
0xe: {  	s7 =	sadd.s32 s7, s8;
	s8 =	smax.u32 s11, $0x1;
	s11 =	simm.s32 $0x400  }
0xf: {  	v0 =	vlaneseq.u32;
	s6 =	sadd.s32 $0x800, s10;
	p0 =	sge.u32 s4, s5;
	s10 =	simm.s32 $0x80  }
.LBB2_9:
0x10: {  	[sflag:s12] =	ssyncset.done $0x0  }
0x11: {  	[sflag:s12] =	ssyncadd.s32 $0xFFFFFE00  }
.LBB2_10:
0x12: {  	s14 =	sadd.s32 $0x1, s14  }
0x13: {  	p1 =	sne.s32 s14, s8  }
.Ltmp1:
0x14: {  	_ = 	snop;
	(pc) =	sbr.rel @!p1 .LBB2_11-.Ltmp1, $1  }
0x15: {  	_ =	sdelay $0x3  }
.LBB2_1:
.Ltmp2:
0x16: {  	(pc) =	sbr.rel @p0 .LBB2_6-.Ltmp2, $2  }
0x17: {  	_ =	sdelay $0x2  }
0x18: {  	s18 =	simm.s32 $0x0  }
0x19: {  	s15 =	simm.s32 $0x0  }
0x1a: {  	s16 =	smov.u32 s9;
	s18 =	simm.s32 $0x0;
	s17 =	smov.u32 s4  }
.LBB2_3:
0x1b: {  	s19 =	sshrl.u32 s17, $0x3  }
0x1c: {  	s20 =	sshll.u32 s17, $0x7;
	s19 =	smul.u32 $0x13C00, s19  }
0x1d: {  	s20 =	sand.u32 $0x380, s20  }
0x1e: {  	s19 =	sor.u32 s20, s19  }
0x1f: {  	s19 =	sshrl.u32 s19, $0x3  }
0x20: {  	s19 =	sadd.s32 s1, s19  }
0x21: {  	[tilespmem:s15], [sflag:$0x1] =	stream.strided.gather [hbm4b:s19+s10], $0x2780, s11, s10, $0x38;
	[tilespmem:$0xC800] =	vst v63  }
0x22: {  	_ =	swait.ge [sflag:s12], $0x2780  }
0x23: {  	[sflag:s12] =	ssyncset.done $0x0  }
0x24: {  	s20 =	simm.s32 $0x20;
	[sflag:s12] =	ssyncadd.s32 $0xFFFFD880  }
0x25: {  	v1 =	vld [tilespmem:s20+$0xFFFFFFE0];
	_ =	sdelay $0x4  }
0x26: {  	vm0 =	vlt.f32 v1, $0.0e+00;
	vm1 =	vgt.f32 v1, $0.0e+00  }
0x27: {  	vm0 =	vmor vm1, vm0  }
0x28: {  	v1 =	vmpcnt.ones.xlane vm0;
	_ =	sdelay $0x1  }
0x29: {  	(v2sf) =	vpush v1, $0x0;
	_ =	sdelay $0x2  }
0x2a: {  	s23 =	sadd.s32 $0x0, s16  }
0x2b: {  	v1 =	vor.u32 s23, v0  }
0x2c: {  	[tilespmem:s18+$0x2780] =	vst.msk vm0, v1  }
0x2d: {  	v1 =	vld [tilespmem:s20+$0xFFFFFFF0];
	_ =	sdelay $0x4  }
0x2e: {  	vm0 =	vlt.f32 v1, $0.0e+00;
	vm1 =	vgt.f32 v1, $0.0e+00  }
0x2f: {  	vm0 =	vmor vm1, vm0  }
0x30: {  	v1 =	vmpcnt.ones.xlane vm0;
	_ =	sdelay $0x1  }
0x31: {  	s21 =	sadd.s32 $0x10, s23;
	(v2sf) =	vpush v1, $0x0;
	s22 =	spop (v2sf)  }
0x32: {  	v1 =	vor.u32 s21, v0;
	s24 =	sadd.s32 s18, s22  }
0x33: {  	[tilespmem:s24+$0x2780] =	vst.msk vm0, v1  }
0x34: {  	v1 =	vld [tilespmem:s20+$0x0];
	_ =	sdelay $0x4  }
0x35: {  	vm0 =	vlt.f32 v1, $0.0e+00;
	vm1 =	vgt.f32 v1, $0.0e+00  }
0x36: {  	vm0 =	vmor vm1, vm0  }
0x37: {  	v1 =	vmpcnt.ones.xlane vm0;
	_ =	sdelay $0x1  }
0x38: {  	(v2sf) =	vpush v1, $0x0;
	_ =	sdelay $0x2  }
0x39: {  	s25 =	sadd.s32 $0x20, s23;
	s26 =	spop (v2sf)  }
0x3a: {  	s18 =	sadd.s32 s24, s26;
	v1 =	vor.u32 s25, v0  }
0x3b: {  	[tilespmem:s18+$0x2780] =	vst.msk vm0, v1  }
0x3c: {  	v1 =	vld [tilespmem:s20+$0x10];
	_ =	sdelay $0x4  }
0x3d: {  	vm0 =	vlt.f32 v1, $0.0e+00;
	vm1 =	vgt.f32 v1, $0.0e+00  }
0x3e: {  	vm0 =	vmor vm1, vm0  }
0x3f: {  	v1 =	vmpcnt.ones.xlane vm0;
	_ =	sdelay $0x1  }
0x40: {  	s28 =	sadd.s32 $0x30, s23;
	(v2sf) =	vpush v1, $0x0;
	s29 =	spop (v2sf)  }
0x41: {  	v1 =	vor.u32 s28, v0;
	s18 =	sadd.s32 s18, s29  }
0x42: {  	[tilespmem:s18+$0x2780] =	vst.msk vm0, v1  }
0x43: {  	v1 =	vld [tilespmem:s20+$0x20];
	_ =	sdelay $0x4  }
0x44: {  	vm0 =	vlt.f32 v1, $0.0e+00;
	vm1 =	vgt.f32 v1, $0.0e+00  }
0x45: {  	vm0 =	vmor vm1, vm0  }
0x46: {  	v1 =	vmpcnt.ones.xlane vm0;
	_ =	sdelay $0x1  }
0x47: {  	(v2sf) =	vpush v1, $0x0;
	_ =	sdelay $0x2  }
0x48: {  	s30 =	sadd.s32 $0x40, s23;
	s31 =	spop (v2sf)  }
0x49: {  	s22 =	sadd.s32 s18, s31;
	v1 =	vor.u32 s30, v0  }
0x4a: {  	s18 =	simm.s32 $0x70;
	[tilespmem:s22+$0x2780] =	vst.msk vm0, v1  }
0x4b: {  	v1 =	vld [tilespmem:s18+$0xFFFFFFE0];
	_ =	sdelay $0x4  }
0x4c: {  	vm0 =	vlt.f32 v1, $0.0e+00;
	vm1 =	vgt.f32 v1, $0.0e+00  }
0x4d: {  	vm0 =	vmor vm1, vm0  }
0x4e: {  	v1 =	vmpcnt.ones.xlane vm0;
	_ =	sdelay $0x1  }
0x4f: {  	s19 =	simm.s32 $0x50;
	s21 =	simm.s32 $0xA0;
	(v2sf) =	vpush v1, $0x0;
	s23 =	spop (v2sf)  }
.LBB2_4:
0x50: {  	s24 =	sadd.s32 s19, s16  }
0x51: {  	s23 =	sadd.s32 s22, s23;
	s19 =	smov.u32 s21;
	s20 =	sadd.s32 $0x50, s21  }
0x52: {  	v1 =	vor.u32 s24, v0;
	s25 =	sadd.s32 $0x10, s24;
	s26 =	sadd.s32 $0x20, s24;
	s22 =	sadd.s32 $0x30, s24  }
0x53: {  	p1 =	sne.s32 s21, $0x26C0;
	s21 =	sadd.s32 $0x40, s24;
	[tilespmem:s23+$0x2780] =	vst.msk vm0, v1  }
0x54: {  	v1 =	vld [tilespmem:s18+$0xFFFFFFF0];
	_ =	sdelay $0x4  }
0x55: {  	vm0 =	vlt.f32 v1, $0.0e+00;
	vm1 =	vgt.f32 v1, $0.0e+00  }
0x56: {  	vm0 =	vmor vm1, vm0  }
0x57: {  	v1 =	vmpcnt.ones.xlane vm0;
	_ =	sdelay $0x1  }
0x58: {  	(v2sf) =	vpush v1, $0x0  }
0x59: {  	s24 =	spop (v2sf)  }
0x5a: {  	v1 =	vor.u32 s25, v0;
	s23 =	sadd.s32 s23, s24  }
0x5b: {  	[tilespmem:s23+$0x2780] =	vst.msk vm0, v1  }
0x5c: {  	v1 =	vld [tilespmem:s18+$0x0];
	_ =	sdelay $0x4  }
0x5d: {  	vm0 =	vlt.f32 v1, $0.0e+00;
	vm1 =	vgt.f32 v1, $0.0e+00  }
0x5e: {  	vm0 =	vmor vm1, vm0  }
0x5f: {  	v1 =	vmpcnt.ones.xlane vm0;
	_ =	sdelay $0x1  }
0x60: {  	(v2sf) =	vpush v1, $0x0;
	_ =	sdelay $0x1  }
0x61: {  	s24 =	spop (v2sf)  }
0x62: {  	v1 =	vor.u32 s26, v0;
	s23 =	sadd.s32 s23, s24  }
0x63: {  	[tilespmem:s23+$0x2780] =	vst.msk vm0, v1  }
0x64: {  	v1 =	vld [tilespmem:s18+$0x10];
	_ =	sdelay $0x4  }
0x65: {  	vm0 =	vlt.f32 v1, $0.0e+00;
	vm1 =	vgt.f32 v1, $0.0e+00  }
0x66: {  	vm0 =	vmor vm1, vm0  }
0x67: {  	v1 =	vmpcnt.ones.xlane vm0;
	_ =	sdelay $0x1  }
0x68: {  	(v2sf) =	vpush v1, $0x0  }
0x69: {  	s24 =	spop (v2sf)  }
0x6a: {  	v1 =	vor.u32 s22, v0;
	s23 =	sadd.s32 s23, s24  }
0x6b: {  	[tilespmem:s23+$0x2780] =	vst.msk vm0, v1  }
0x6c: {  	v1 =	vld [tilespmem:s18+$0x20];
	_ =	sdelay $0x4  }
0x6d: {  	vm0 =	vlt.f32 v1, $0.0e+00;
	vm1 =	vgt.f32 v1, $0.0e+00  }
0x6e: {  	vm0 =	vmor vm1, vm0  }
0x6f: {  	v1 =	vmpcnt.ones.xlane vm0;
	_ =	sdelay $0x1  }
0x70: {  	(v2sf) =	vpush v1, $0x0;
	_ =	sdelay $0x1  }
0x71: {  	s22 =	spop (v2sf)  }
0x72: {  	v1 =	vor.u32 s21, v0;
	s22 =	sadd.s32 s23, s22  }
0x73: {  	s18 =	sadd.s32 $0x50, s18;
	[tilespmem:s22+$0x2780] =	vst.msk vm0, v1  }
0x74: {  	v1 =	vld [tilespmem:s18+$0xFFFFFFE0];
	_ =	sdelay $0x4  }
0x75: {  	vm0 =	vlt.f32 v1, $0.0e+00;
	vm1 =	vgt.f32 v1, $0.0e+00  }
.Ltmp3:
0x76: {  	vm0 =	vmor vm1, vm0;
	(pc) =	sbr.rel @p1 .LBB2_4-.Ltmp3, $3  }
0x77: {  	v1 =	vmpcnt.ones.xlane vm0;
	_ =	sdelay $0x1  }
0x78: {  	(v2sf) =	vpush v1, $0x0  }
0x79: {  	s21 =	smov.u32 s20;
	s23 =	spop (v2sf)  }
0x7a: {  	_ =	sdelay $0x4  }
0x7b: {  	s19 =	sadd.s32 s19, s16  }
0x7c: {  	s20 =	sadd.s32 s22, s23;
	v1 =	vor.u32 s19, v0  }
0x7d: {  	[tilespmem:s20+$0x2780] =	vst.msk vm0, v1  }
0x7e: {  	v1 =	vld [tilespmem:s18+$0xFFFFFFF0];
	_ =	sdelay $0x4  }
0x7f: {  	s21 =	sadd.s32 $0x10, s19;
	vm9 =	vlt.f32 v1, $0.0e+00;
	vm1 =	vgt.f32 v1, $0.0e+00;
	s23 =	spop (v2sf)  }
0x80: {  	v1 =	vor.u32 s21, v0;
	vm0 =	vmor vm1, vm9;
	s20 =	sadd.s32 s20, s23  }
0x81: {  	v2 =	vmpcnt.ones.xlane vm0;
	[tilespmem:s20+$0x2780] =	vst.msk vm0, v1  }
0x82: {  	v1 =	vld [tilespmem:s18+$0x0]  }
0x83: {  	(v2sf) =	vpush v2, $0x0;
	_ =	sdelay $0x3  }
0x84: {  	vm10 =	vlt.f32 v1, $0.0e+00;
	vm11 =	vgt.f32 v1, $0.0e+00  }
0x85: {  	vm0 =	vmor vm11, vm10  }
0x86: {  	v1 =	vmpcnt.ones.xlane vm0;
	_ =	sdelay $0x1  }
0x87: {  	(v2sf) =	vpush v1, $0x0;
	_ =	sdelay $0x6  }
0x88: {  	s24 =	sadd.s32 $0x20, s19;
	s25 =	spop (v2sf)  }
0x89: {  	v1 =	vor.u32 s24, v0;
	s20 =	sadd.s32 s20, s25  }
0x8a: {  	[tilespmem:s20+$0x2780] =	vst.msk vm0, v1  }
0x8b: {  	v1 =	vld [tilespmem:s18+$0x10];
	_ =	sdelay $0x4  }
0x8c: {  	s26 =	sadd.s32 $0x30, s19;
	vm12 =	vlt.f32 v1, $0.0e+00;
	vm13 =	vgt.f32 v1, $0.0e+00;
	s28 =	spop (v2sf)  }
0x8d: {  	v1 =	vor.u32 s26, v0;
	vm0 =	vmor vm13, vm12;
	s20 =	sadd.s32 s20, s28  }
0x8e: {  	[tilespmem:s20+$0x2780] =	vst.msk vm0, v1  }
0x8f: {  	v1 =	vld [tilespmem:s18+$0x20];
	_ =	sdelay $0x4  }
0x90: {  	vm14 =	vlt.f32 v1, $0.0e+00;
	vm2 =	vgt.f32 v1, $0.0e+00  }
0x91: {  	v1 =	vmpcnt.ones.xlane vm0;
	vm15 =	vmor vm2, vm14  }
0x92: {  	v2 =	vmpcnt.ones.xlane vm15  }
0x93: {  	(v2sf) =	vpush v1, $0x0  }
0x94: {  	(v2sf) =	vpush v2, $0x0;
	_ =	sdelay $0x9  }
0x95: {  	s17 =	sadd.s32 $0x1, s17  }
0x96: {  	p1 =	slt.u32 s17, s5  }
.Ltmp4:
0x97: {  	_ = 	snop;
	(pc) =	sbr.rel @p1 .LBB2_3-.Ltmp4, $4  }
0x98: {  	_ = 	snop  }
0x99: {  	s29 =	sadd.s32 $0x40, s19;
	s30 =	spop (v2sf)  }
0x9a: {  	v1 =	vor.u32 s29, v0;
	s19 =	sadd.s32 s20, s30;
	s31 =	spop (v2sf)  }
0x9b: {  	s16 =	sadd.s32 $0x4000, s16;
	[tilespmem:s19+$0x2780] =	vst.msk vm15, v1;
	s18 =	sadd.s32 s19, s31  }
.LBB2_6:
0x9c: {  	s15 =	sadd.s32 $0x1FF, s18  }
0x9d: {  	s16 =	sand.u32 $0x1FF, s15  }
0x9e: {  	s31 =	sshra.s32 s15, $0x1F;
	p2 =	slt.s32 s15, $0x1;
	p1 =	sne.s32 s16, $0x0  }
0x9f: {  	s16 =	sshrl.u32 s31, $0x17;
	p1 =	por !p2, !p1  }
0xa0: {  	s15 =	sadd.s32 s16, s15;
	s16 =	simm.s32 $0x1;
	p1 =	por !p1, !p1  }
0xa1: {  	s15 =	sshra.s32 s15, $0x9;
	s16 =	simm.s32 @!p1 $0x0  }
0xa2: {  	s16 =	ssub.s32 s15, s16  }
0xa3: {  	v1 =	vmov s18;
	p1 =	slt.s32 s16, $0x1  }
.Ltmp5:
0xa4: {  	[tilespmem:$0xC780] =	vst v1;
	(pc) =	sbr.rel @p1 .LBB2_10-.Ltmp5, $4  }
0xa5: {  	[hbm4b:s6+s3] =	stream.linear.scatter [tilespmem:s13], [sflag:$0x1], $0x80, $0x38;
	[tilespmem:$0xC800] =	vst v63  }
0xa6: {  	_ =	swait.ge [sflag:s12], $0x80  }
0xa7: {  	[sflag:s12] =	ssyncset.done $0x0  }
0xa8: {  	[sflag:s12] =	ssyncadd.s32 $0xFFFFFF80  }
0xa9: {  	p1 =	sne.s32 s16, $0x1  }
.Ltmp6:
0xaa: {  	s15 =	simm.s32 $0x0;
	(pc) =	sbr.rel @!p1 .LBB2_9-.Ltmp6, $4  }
0xab: {  	s17 =	sand.u32 $0x1FFFFE00, s15  }
0xac: {  	s15 =	simm.s32 $0x2780;
	s17 =	sadd.s32 s17, s7  }
0xad: {  	[hbm4b:s17+s10] =	stream.strided.scatter [tilespmem:s15], [sflag:$0x1], $0x200, s11, s10, $0x38;
	[tilespmem:$0xC800] =	vst v63  }
0xae: {  	s16 =	sadd.s32 $0xFFFFFFFF, s16;
	s17 =	simm.s32 $0x200;
	_ =	swait.ge [sflag:s12], $0x200  }
.LBB2_8:
0xaf: {  	s18 =	sand.u32 $0x1FFFFE00, s17  }
0xb0: {  	[sflag:s12] =	ssyncset.done $0x0;
	s15 =	sadd.s32 $0x200, s15;
	p1 =	sne.s32 s16, $0x1  }
.Ltmp7:
0xb1: {  	s18 =	sadd.s32 s18, s7;
	[sflag:s12] =	ssyncadd.s32 $0xFFFFFE00;
	(pc) =	sbr.rel @p1 .LBB2_8-.Ltmp7, $3  }
0xb2: {  	[hbm4b:s18+s10] =	stream.strided.scatter [tilespmem:s15], [sflag:$0x1], $0x200, s11, s10, $0x38;
	[tilespmem:$0xC800] =	vst v63  }
0xb3: {  	s16 =	sadd.s32 $0xFFFFFFFF, s16;
	_ =	sdelay $0x1  }
0xb4: {  	s17 =	sadd.s32 $0x200, s17;
	_ =	swait.ge [sflag:s12], $0x200  }
.Ltmp8:
0xb5: {  	_ = 	snop;
	(pc) =	sbr.rel .LBB2_9-.Ltmp8, $1  }
0xb6: {  	_ =	sdelay $0x3  }
.LBB2_11:
0xb7: {  	_ =	sfence.sel $0x180000  }
0xb8: {  	[bflag:$0x0] =	sbarrier.arrive $0xFFFF  }
0xb9: {  	p0 =	sne.s32 s0, $0x0;
	_ =	strace $0x90000047  }
0xba: {  	s0 =	sadd.s32 @!p0 $0x100000, s2;
	[bflag:$0x2] =	sbarrier.arrive $0xFFFF  }
0xbb: {  	[sflag:s0] =	ssyncadd.tile.s32 @!p0 $0x1;
	_ =	shalt  }
.Lfunc_end2:
_tile_overlayer_lowered:
.L_overlay_start_2:
0xbc: {  	(tag) =	ssettag $0x2  }
0xbd: {  	s0 =	rddreg [dreg:$0x0];
	s2 =	stileid.u32  }
0xbe: {  	s1 =	rddreg [dreg:$0x1];
	p0 =	sne.s32 s2, $0x0  }
0xbf: {  	s3 =	rddreg [dreg:$0x2];
	[bflag:$0x3] =	sbarrier.arrive $0xFFFF;
	s2 =	simm.s32 @!p0 $0x1C01  }
0xc0: {  	[timem:s3], [sflag:s2] =	dma.local @!p0 [hbm:s0], s1  }
0xc1: {  	s0 =	simm.s32 @!p0 $0x1  }
0xc2: {  	_ =	swait.ge @!p0 [sflag:s0], s1  }
0xc3: {  	s1 =	ssub.s32 @!p0 $0x0, s1;
	[sflag:s0] =	ssyncset.done @!p0 $0x0  }
0xc4: {  	[sflag:s0] =	ssyncadd.s32 @!p0 s1  }
0xc5: {  	[bflag:$0x3] =	sbarrier.arrive $0xFFFF  }
0xc6: {  	_ =	shalt  }

</sc_bundles>
